<compile_context>
chip_gen: v7x
topology: tpu7x:2x2x1
jax: 0.10.2.dev20260603
libtpu: 0.0.44.dev20260713+nightly
codegen_flags: <defaults>
</compile_context>

<pallas_src>
import functools

import jax
import jax.numpy as jnp
from jax import lax
from jax.experimental import pallas as pl
from jax.experimental.pallas import tpu as pltpu
from jax.experimental.pallas import tpu_sc as plsc

N = 10000
D = 128
H = 128
E = 320000

NC = 2
NS = 16
NW = NC * NS
CH = 128
NCHUNK = E // CH
NFULL = NCHUNK // NW
NEXTRA = NCHUNK % NW
NPAD = 10112
RPT = NPAD // NS

_mesh = plsc.VectorSubcoreMesh(core_axis_name="c", subcore_axis_name="s")


PL = 40


@functools.partial(
    pl.kernel,
    out_type=jax.ShapeDtypeStruct((NC, NPAD, D), jnp.float32),
    mesh=_mesh,
    scratch_types=[
        pltpu.VMEM((PL, 2, CH), jnp.int32),
        pltpu.VMEM((CH, D), jnp.float32),
        pltpu.VMEM((CH, D), jnp.float32),
        pltpu.VMEM_SHARED((NPAD, D), jnp.float32),
        pltpu.SemaphoreType.DMA,
        pltpu.SemaphoreType.DMA,
    ],
)
def _seg(p_hbm, eit_hbm, zrow_hbm, acc_out,
         idx_v, rows0, rows1, acc_sh, sem0, sem1):
    cid = lax.axis_index("c")
    sid = lax.axis_index("s")
    w = sid * NC + cid

    r0 = sid * RPT
    pltpu.sync_copy(zrow_hbm.at[pl.ds(r0, RPT)], acc_sh.at[pl.ds(r0, RPT)])

    start = NFULL * w + jnp.minimum(w, NEXTRA)
    cnt = NFULL + jnp.where(w < NEXTRA, 1, 0)
    pltpu.sync_copy(eit_hbm.at[pl.ds(start, PL)], idx_v)
    plsc.subcore_barrier()

    def fetch(r, rowsb, semb):
        pltpu.make_async_copy(p_hbm.at[idx_v.at[r, 0]], rowsb, semb).start()

    def drain(r, rowsb, semb):
        pltpu.make_async_copy(p_hbm.at[idx_v.at[r, 0]], rowsb, semb).wait()
        pltpu.sync_copy(rowsb, acc_sh.at[idx_v.at[r, 1]], add=True)

    fetch(0, rows0, sem0)

    def pair0(t, carry):
        k0 = 2 * t
        fetch(k0 + 1, rows1, sem1)
        drain(k0, rows0, sem0)

        @pl.when(k0 + 2 < PL)
        def _():
            fetch(k0 + 2, rows0, sem0)

        drain(k0 + 1, rows1, sem1)
        return carry

    lax.fori_loop(0, PL // 2, pair0, 0)

    pltpu.sync_copy(eit_hbm.at[pl.ds(start + PL, PL)], idx_v)
    rem = cnt - PL
    fetch(0, rows0, sem0)

    def pair1(t, carry):
        k0 = 2 * t
        fetch(k0 + 1, rows1, sem1)
        drain(k0, rows0, sem0)

        @pl.when(k0 + 2 < rem)
        def _():
            fetch(k0 + 2, rows0, sem0)

        drain(k0 + 1, rows1, sem1)
        return carry

    lax.fori_loop(0, (NFULL - PL) // 2, pair1, 0)

    @pl.when(w < NEXTRA)
    def _():
        drain(NFULL - PL, rows0, sem0)

    plsc.subcore_barrier()
    pltpu.sync_copy(acc_sh.at[pl.ds(r0, RPT)],
                    acc_out.at[cid, pl.ds(r0, RPT)])


QR = 80
BK = 12800


def _tcdeg_body(dr_ref, o_ref):
    i = pl.program_id(0)
    d = dr_ref[...]
    ri = lax.broadcasted_iota(jnp.int32, (128, BK), 0)
    cm = (ri == lax.bitwise_and(d, 127)).astype(jnp.bfloat16)
    qi = lax.broadcasted_iota(jnp.int32, (QR, BK), 0)
    am = (qi == lax.shift_right_logical(d, 7)).astype(jnp.bfloat16)
    blk = lax.dot_general(cm, am, (((1,), (1,)), ((), ())),
                          preferred_element_type=jnp.float32)

    @pl.when(i == 0)
    def _():
        o_ref[...] = blk

    @pl.when(i > 0)
    def _():
        o_ref[...] += blk


_tcdeg = pl.pallas_call(
    _tcdeg_body,
    grid=(E // BK,),
    in_specs=[pl.BlockSpec((1, BK), lambda i: (0, i))],
    out_specs=pl.BlockSpec((128, QR), lambda i: (0, 0)),
    out_shape=jax.ShapeDtypeStruct((128, QR), jnp.float32),
)


def _tc1_body(x_ref, wn_ref, ws_ref, b_ref, p_ref, s_ref):
    h = jnp.log(x_ref[...] + 1.0)
    p_ref[...] = jnp.dot(h, wn_ref[...], preferred_element_type=jnp.float32)
    s_ref[...] = (jnp.dot(h, ws_ref[...], preferred_element_type=jnp.float32)
                  + b_ref[...])


def _tc2_body(s1_ref, a_ref, d_ref, wn_ref, ws_ref, b_ref,
              p_ref, s_ref):
    deg = jnp.maximum(d_ref[...], 1.0)
    h = jax.nn.relu(s1_ref[...] + (a_ref[0, :N, :] + a_ref[1, :N, :]) / deg)
    nrm = jnp.sqrt(jnp.sum(h * h, axis=-1, keepdims=True))
    h = h / jnp.maximum(nrm, 1e-12)
    p_ref[...] = jnp.dot(h, wn_ref[...], preferred_element_type=jnp.float32)
    s_ref[...] = (jnp.dot(h, ws_ref[...], preferred_element_type=jnp.float32)
                  + b_ref[...])


def _tc3_body(s2_ref, a_ref, d_ref, o_ref):
    deg = jnp.maximum(d_ref[...], 1.0)
    o_ref[...] = s2_ref[...] + (a_ref[0, :N, :] + a_ref[1, :N, :]) / deg


_tc1 = pl.pallas_call(
    _tc1_body,
    out_shape=[jax.ShapeDtypeStruct((N, H), jnp.float32)] * 2,
)

_tc2 = pl.pallas_call(
    _tc2_body,
    out_shape=[jax.ShapeDtypeStruct((N, H), jnp.float32)] * 2,
)

_tc3 = pl.pallas_call(
    _tc3_body,
    out_shape=jax.ShapeDtypeStruct((N, H), jnp.float32),
)


@jax.jit
def kernel(x, edge_index, W_self1, W_neigh1, b1, W_self2, W_neigh2, b2):
    ei = edge_index.astype(jnp.int32)
    eit = jnp.transpose(ei.reshape(2, NCHUNK, CH), (1, 0, 2))
    eit = jnp.pad(eit, ((0, 2 * PL), (0, 0), (0, 0)))
    zrow = jnp.zeros((NPAD, D), jnp.float32)
    b1r = b1.reshape(1, H)
    b2r = b2.reshape(1, H)
    dst = ei[1]

    deg2d = _tcdeg(dst.reshape(1, E))
    degcol = deg2d.T.reshape(QR * 128)[:N, None]
    p1, s1 = _tc1(x, W_neigh1, W_self1, b1r)
    acc1 = _seg(p1, eit, zrow)
    p2, s2 = _tc2(s1, acc1, degcol, W_neigh2, W_self2, b2r)
    acc2 = _seg(p2, eit, zrow)
    out = _tc3(s2, acc2, degcol)
    return out

# --- scband reference (transcript-rebuilt; emitter-appended) ---
"""Pipeline reference for scband-sage-54640573940263 (READ-ONLY COPY).

The authoritative reference and input builder live on the scoring server;
editing this copy changes nothing except your own understanding.
"""

import jax, jax.numpy as jnp
import numpy as np

N = 10000
E = 320000
D = 128
H = 128


def setup_inputs(seed: int = 0) -> dict:
    key = jax.random.key(seed)
    ks = jax.random.split(key, 9)
    x = jax.random.uniform(ks[0], (N, D), dtype=jnp.float32)
    edge_index = jax.random.randint(ks[1], (2, E), 0, N)
    W_self1 = jax.random.normal(ks[2], (D, H), dtype=jnp.float32) * 0.05
    W_neigh1 = jax.random.normal(ks[3], (D, H), dtype=jnp.float32) * 0.05
    b1 = jnp.zeros((H,), dtype=jnp.float32)
    W_self2 = jax.random.normal(ks[4], (H, H), dtype=jnp.float32) * 0.05
    W_neigh2 = jax.random.normal(ks[5], (H, H), dtype=jnp.float32) * 0.05
    b2 = jnp.zeros((H,), dtype=jnp.float32)
    return {"x": x, "edge_index": edge_index, "W_self1": W_self1, "W_neigh1": W_neigh1, "b1": b1, "W_self2": W_self2, "W_neigh2": W_neigh2, "b2": b2}


def _sage_mean_layer(h, src, dst, W_self, W_neigh, b):
    # DGL SAGEConv 'mean': h_neigh = mean over in-neighbors, rst = fc_self(h) + fc_neigh(h_neigh) + bias
    msg = jnp.take(h, src, axis=0)
    summed = jax.ops.segment_sum(msg, dst, num_segments=N)
    cnt = jax.ops.segment_sum(jnp.ones((src.shape[0],), dtype=h.dtype), dst, num_segments=N)
    mean_neigh = summed / jnp.maximum(cnt, 1.0)[:, None]
    return h @ W_self + mean_neigh @ W_neigh + b


def reference(x, edge_index, W_self1, W_neigh1, b1, W_self2, W_neigh2, b2):
    src = edge_index[0]
    dst = edge_index[1]
    # SAGE.forward: h = log(x + 1), then SAGEConv layers over blocks (same graph per block here)
    h = jnp.log(x + 1.0)
    # Layer 1: SAGEConv with activation=relu and norm=F.normalize (L2)
    h = _sage_mean_layer(h, src, dst, W_self1, W_neigh1, b1)
    h = jax.nn.relu(h)
    nrm = jnp.linalg.norm(h, axis=-1, keepdims=True)
    h = h / jnp.maximum(nrm, 1e-12)
    # Layer 2: SAGEConv, no activation, no norm (feat_drop inactive in eval)
    h = _sage_mean_layer(h, src, dst, W_self2, W_neigh2, b2)
    return h

if __name__ == "__main__":
    import jax
    _d = setup_inputs()
    print(jax.jit(kernel)(*tuple(_d.values())))

</pallas_src>

<mosaic_0001>
#map = affine_map<(d0, d1) -> (0, 0)>
#map1 = affine_map<(d0, d1) -> (0, 0, 0)>
module attributes {stable_mosaic.version = 14 : i64} {
  func.func @_seg(%arg0: i32, %arg1: i32, %arg2: memref<10000x128xf32, #tpu.memory_space<hbm>>, %arg3: memref<2580x2x128xi32, #tpu.memory_space<hbm>>, %arg4: memref<10112x128xf32, #tpu.memory_space<hbm>>, %arg5: memref<2x10112x128xf32, #tpu.memory_space<hbm>>, %arg6: memref<40x2x128xi32, #tpu.memory_space<vmem>>, %arg7: memref<128x128xf32, #tpu.memory_space<vmem>>, %arg8: memref<128x128xf32, #tpu.memory_space<vmem>>, %arg9: memref<10112x128xf32, #tpu.memory_space<vmem_shared>>, %arg10: memref<!tpu.dma_semaphore, #tpu.memory_space<semaphore_mem>>, %arg11: memref<!tpu.dma_semaphore, #tpu.memory_space<semaphore_mem>>) attributes {dimension_semantics = [#tpu.dimension_semantics<core_parallel>, #tpu.dimension_semantics<subcore_parallel>], iteration_bounds = array<i64: 2, 16>, scalar_prefetch = 0 : i64, scratch_operands = 6 : i64, tpu.core_type = #tpu.core_type<sc_vector_subcore>, window_params = [{transform_indices = #map}, {transform_indices = #map1}, {transform_indices = #map}, {transform_indices = #map1}]} {
    %mul3A = arith.constant 2 : i32
    %mul3A_0 = arith.muli %arg1, %mul3A : i32
    %add3A = arith.addi %mul3A_0, %arg0 : i32
    %mul3A_1 = arith.constant 632 : i32
    %mul3A_2 = arith.muli %arg1, %mul3A_1 : i32
    "tpu.region"() ({
      %run_scoped3A = tpu.sem_alloc : memref<!tpu.dma_semaphore, #tpu.memory_space<semaphore_mem>>
      %dma_start3A_44 = arith.constant 0 : i32
      %dma_start3A_45 = tpu.memref_slice %arg9[%mul3A_2, %dma_start3A_44] : memref<10112x128xf32, #tpu.memory_space<vmem_shared>> -> memref<632x128xf32, #tpu.memory_space<vmem_shared>>
      %dma_start3A_46 = arith.constant 0 : i32
      %dma_start3A_47 = tpu.memref_slice %arg4[%mul3A_2, %dma_start3A_46] : memref<10112x128xf32, #tpu.memory_space<hbm>> -> memref<632x128xf32, #tpu.memory_space<hbm>>
      tpu.enqueue_dma source(%dma_start3A_47 : memref<632x128xf32, #tpu.memory_space<hbm>>) target(%dma_start3A_45 : memref<632x128xf32, #tpu.memory_space<vmem_shared>>) target_semaphore(%run_scoped3A : memref<!tpu.dma_semaphore, #tpu.memory_space<semaphore_mem>>)
      %dma_wait3A = arith.constant 0 : i32
      %dma_wait3A_48 = tpu.memref_slice %arg9[%mul3A_2, %dma_wait3A] : memref<10112x128xf32, #tpu.memory_space<vmem_shared>> -> memref<632x128xf32, #tpu.memory_space<vmem_shared>>
      %dma_wait3A_49 = arith.constant 0 : i32
      %dma_wait3A_50 = tpu.memref_slice %arg4[%mul3A_2, %dma_wait3A_49] : memref<10112x128xf32, #tpu.memory_space<hbm>> -> memref<632x128xf32, #tpu.memory_space<hbm>>
      tpu.wait_dma2 semaphore(%run_scoped3A : memref<!tpu.dma_semaphore, #tpu.memory_space<semaphore_mem>>) src(%dma_wait3A_50 : memref<632x128xf32, #tpu.memory_space<hbm>>) dst(%dma_wait3A_48 : memref<632x128xf32, #tpu.memory_space<vmem_shared>>)
      tpu.yield
    }) : () -> ()
    %mul3A_3 = arith.constant 78 : i32
    %mul3A_4 = arith.muli %mul3A_3, %add3A : i32
    %min3A = arith.constant 4 : i32
    %min3A_5 = arith.minsi %add3A, %min3A : i32
    %add3A_6 = arith.addi %mul3A_4, %min3A_5 : i32
    %lt3A = arith.constant 4 : i32
    %lt3A_7 = arith.cmpi slt, %add3A, %lt3A : i32
    %jit3A = arith.constant 1 : i32
    %jit3A_8 = arith.constant 0 : i32
    %select_n3A = arith.select %lt3A_7, %jit3A, %jit3A_8 : i32
    %add3A_9 = arith.constant 78 : i32
    %add3A_10 = arith.addi %add3A_9, %select_n3A : i32
    "tpu.region"() ({
      %run_scoped3A = tpu.sem_alloc : memref<!tpu.dma_semaphore, #tpu.memory_space<semaphore_mem>>
      %dma_start3A_44 = arith.constant 0 : i32
      %dma_start3A_45 = arith.constant 0 : i32
      %dma_start3A_46 = tpu.memref_slice %arg3[%add3A_6, %dma_start3A_44, %dma_start3A_45] : memref<2580x2x128xi32, #tpu.memory_space<hbm>> -> memref<40x2x128xi32, #tpu.memory_space<hbm>>
      %dma_start3A_47 = arith.constant 0 : i32
      %dma_start3A_48 = arith.constant 0 : i32
      %dma_start3A_49 = tpu.memref_slice %arg3[%add3A_6, %dma_start3A_47, %dma_start3A_48] : memref<2580x2x128xi32, #tpu.memory_space<hbm>> -> memref<40x2x128xi32, #tpu.memory_space<hbm>>
      tpu.enqueue_dma source(%dma_start3A_49 : memref<40x2x128xi32, #tpu.memory_space<hbm>>) target(%arg6 : memref<40x2x128xi32, #tpu.memory_space<vmem>>) target_semaphore(%run_scoped3A : memref<!tpu.dma_semaphore, #tpu.memory_space<semaphore_mem>>)
      %dma_wait3A = arith.constant 0 : i32
      %dma_wait3A_50 = arith.constant 0 : i32
      %dma_wait3A_51 = tpu.memref_slice %arg3[%add3A_6, %dma_wait3A, %dma_wait3A_50] : memref<2580x2x128xi32, #tpu.memory_space<hbm>> -> memref<40x2x128xi32, #tpu.memory_space<hbm>>
      %dma_wait3A_52 = arith.constant 0 : i32
      %dma_wait3A_53 = arith.constant 0 : i32
      %dma_wait3A_54 = tpu.memref_slice %arg3[%add3A_6, %dma_wait3A_52, %dma_wait3A_53] : memref<2580x2x128xi32, #tpu.memory_space<hbm>> -> memref<40x2x128xi32, #tpu.memory_space<hbm>>
      tpu.wait_dma2 semaphore(%run_scoped3A : memref<!tpu.dma_semaphore, #tpu.memory_space<semaphore_mem>>) src(%dma_wait3A_54 : memref<40x2x128xi32, #tpu.memory_space<hbm>>) dst(%arg6 : memref<40x2x128xi32, #tpu.memory_space<vmem>>)
      tpu.yield
    }) : () -> ()
    %barrier3A = arith.constant 0 : index
    tpu.barrier barrier_id(%barrier3A)
    %dma_start3A = arith.constant 0 : i32
    %dma_start3A_11 = arith.constant 0 : i32
    %dma_start3A_12 = arith.constant 0 : i32
    %dma_start3A_13 = tpu.memref_slice %arg6[%dma_start3A, %dma_start3A_11, %dma_start3A_12] : memref<40x2x128xi32, #tpu.memory_space<vmem>> -> memref<1x1x128xi32, #tpu.memory_space<vmem>>
    %dma_start3A_14 = tpu.memref_squeeze %dma_start3A_13 : memref<1x1x128xi32, #tpu.memory_space<vmem>> -> memref<128xi32, #tpu.memory_space<vmem>>
    %dma_start3A_15 = arith.constant 0 : i32
    %dma_start3A_16 = arith.constant 0 : i32
    %dma_start3A_17 = tpu.memref_slice %arg2[%dma_start3A_15, %dma_start3A_16] : memref<10000x128xf32, #tpu.memory_space<hbm>> -> memref<10000x128xf32, #tpu.memory_space<hbm>>
    tpu.enqueue_indirect_dma source(%dma_start3A_17 : memref<10000x128xf32, #tpu.memory_space<hbm>>) target(%arg7 : memref<128x128xf32, #tpu.memory_space<vmem>>) offsets(%dma_start3A_14 : memref<128xi32, #tpu.memory_space<vmem>>) semaphore(%arg10 : memref<!tpu.dma_semaphore, #tpu.memory_space<semaphore_mem>>)
    %scan3A = arith.constant 0 : i32
    %scan3A_18 = arith.constant 0 : i32
    %scan3A_19 = arith.constant 20 : i32
    %scan3A_20 = arith.addi %scan3A_18, %scan3A_19 : i32
    %scan3A_21 = arith.constant 1 : i32
    scf.for %scan3A_44 = %scan3A_18 to %scan3A_20 step %scan3A_21  : i32 {
      %mul3A_45 = arith.constant 2 : i32
      %mul3A_46 = arith.muli %mul3A_45, %scan3A_44 : i32
      %add3A_47 = arith.constant 1 : i32
      %add3A_48 = arith.addi %mul3A_46, %add3A_47 : i32
      %dma_start3A_49 = arith.constant 0 : i32
      %dma_start3A_50 = arith.constant 0 : i32
      %dma_start3A_51 = tpu.memref_slice %arg6[%add3A_48, %dma_start3A_49, %dma_start3A_50] : memref<40x2x128xi32, #tpu.memory_space<vmem>> -> memref<1x1x128xi32, #tpu.memory_space<vmem>>
      %dma_start3A_52 = tpu.memref_squeeze %dma_start3A_51 : memref<1x1x128xi32, #tpu.memory_space<vmem>> -> memref<128xi32, #tpu.memory_space<vmem>>
      %dma_start3A_53 = arith.constant 0 : i32
      %dma_start3A_54 = arith.constant 0 : i32
      %dma_start3A_55 = tpu.memref_slice %arg2[%dma_start3A_53, %dma_start3A_54] : memref<10000x128xf32, #tpu.memory_space<hbm>> -> memref<10000x128xf32, #tpu.memory_space<hbm>>
      tpu.enqueue_indirect_dma source(%dma_start3A_55 : memref<10000x128xf32, #tpu.memory_space<hbm>>) target(%arg8 : memref<128x128xf32, #tpu.memory_space<vmem>>) offsets(%dma_start3A_52 : memref<128xi32, #tpu.memory_space<vmem>>) semaphore(%arg11 : memref<!tpu.dma_semaphore, #tpu.memory_space<semaphore_mem>>)
      %dma_wait3A = arith.constant 0 : i32
      %dma_wait3A_56 = arith.constant 0 : i32
      %dma_wait3A_57 = tpu.memref_slice %arg6[%mul3A_46, %dma_wait3A, %dma_wait3A_56] : memref<40x2x128xi32, #tpu.memory_space<vmem>> -> memref<1x1x128xi32, #tpu.memory_space<vmem>>
      %dma_wait3A_58 = tpu.memref_squeeze %dma_wait3A_57 : memref<1x1x128xi32, #tpu.memory_space<vmem>> -> memref<128xi32, #tpu.memory_space<vmem>>
      %dma_wait3A_59 = arith.constant 0 : i32
      %dma_wait3A_60 = arith.constant 0 : i32
      %dma_wait3A_61 = tpu.memref_slice %arg2[%dma_wait3A_59, %dma_wait3A_60] : memref<10000x128xf32, #tpu.memory_space<hbm>> -> memref<10000x128xf32, #tpu.memory_space<hbm>>
      tpu.wait_indirect_dma semaphore(%arg10 : memref<!tpu.dma_semaphore, #tpu.memory_space<semaphore_mem>>) src(%dma_wait3A_61 : memref<10000x128xf32, #tpu.memory_space<hbm>>) dst(%arg7 : memref<128x128xf32, #tpu.memory_space<vmem>>)
      %run_scoped3A = arith.constant 1 : i32
      "tpu.region"() ({
        %run_scoped3A_79 = tpu.sem_alloc : memref<!tpu.dma_semaphore, #tpu.memory_space<semaphore_mem>>
        %dma_start3A_80 = arith.constant 0 : i32
        %dma_start3A_81 = tpu.memref_slice %arg6[%mul3A_46, %run_scoped3A, %dma_start3A_80] : memref<40x2x128xi32, #tpu.memory_space<vmem>> -> memref<1x1x128xi32, #tpu.memory_space<vmem>>
        %dma_start3A_82 = tpu.memref_squeeze %dma_start3A_81 : memref<1x1x128xi32, #tpu.memory_space<vmem>> -> memref<128xi32, #tpu.memory_space<vmem>>
        %dma_start3A_83 = arith.constant 0 : i32
        %dma_start3A_84 = arith.constant 0 : i32
        %dma_start3A_85 = tpu.memref_slice %arg9[%dma_start3A_83, %dma_start3A_84] : memref<10112x128xf32, #tpu.memory_space<vmem_shared>> -> memref<10112x128xf32, #tpu.memory_space<vmem_shared>>
        tpu.enqueue_indirect_dma source(%arg7 : memref<128x128xf32, #tpu.memory_space<vmem>>) target(%dma_start3A_85 : memref<10112x128xf32, #tpu.memory_space<vmem_shared>>) offsets(%dma_start3A_82 : memref<128xi32, #tpu.memory_space<vmem>>) semaphore(%run_scoped3A_79 : memref<!tpu.dma_semaphore, #tpu.memory_space<semaphore_mem>>) {add = true}
        %dma_wait3A_86 = arith.constant 0 : i32
        %dma_wait3A_87 = tpu.memref_slice %arg6[%mul3A_46, %run_scoped3A, %dma_wait3A_86] : memref<40x2x128xi32, #tpu.memory_space<vmem>> -> memref<1x1x128xi32, #tpu.memory_space<vmem>>
        %dma_wait3A_88 = tpu.memref_squeeze %dma_wait3A_87 : memref<1x1x128xi32, #tpu.memory_space<vmem>> -> memref<128xi32, #tpu.memory_space<vmem>>
        %dma_wait3A_89 = arith.constant 0 : i32
        %dma_wait3A_90 = arith.constant 0 : i32
        %dma_wait3A_91 = tpu.memref_slice %arg9[%dma_wait3A_89, %dma_wait3A_90] : memref<10112x128xf32, #tpu.memory_space<vmem_shared>> -> memref<10112x128xf32, #tpu.memory_space<vmem_shared>>
        tpu.wait_indirect_dma semaphore(%run_scoped3A_79 : memref<!tpu.dma_semaphore, #tpu.memory_space<semaphore_mem>>) src(%arg7 : memref<128x128xf32, #tpu.memory_space<vmem>>) dst(%dma_wait3A_91 : memref<10112x128xf32, #tpu.memory_space<vmem_shared>>)
        tpu.yield
      }) : () -> ()
      %add3A_62 = arith.constant 2 : i32
      %add3A_63 = arith.addi %mul3A_46, %add3A_62 : i32
      %lt3A_64 = arith.constant 40 : i32
      %lt3A_65 = arith.cmpi slt, %add3A_63, %lt3A_64 : i32
      %convert_element_type3A_66 = arith.extui %lt3A_65 : i1 to i32
      %cond3A_67 = arith.constant 0 : i32
      %cond3A_68 = arith.cmpi ne, %convert_element_type3A_66, %cond3A_67 : i32
      scf.if %cond3A_68 {
        %add3A_79 = arith.constant 2 : i32
        %add3A_80 = arith.addi %mul3A_46, %add3A_79 : i32
        %dma_start3A_81 = arith.constant 0 : i32
        %dma_start3A_82 = arith.constant 0 : i32
        %dma_start3A_83 = tpu.memref_slice %arg6[%add3A_80, %dma_start3A_81, %dma_start3A_82] : memref<40x2x128xi32, #tpu.memory_space<vmem>> -> memref<1x1x128xi32, #tpu.memory_space<vmem>>
        %dma_start3A_84 = tpu.memref_squeeze %dma_start3A_83 : memref<1x1x128xi32, #tpu.memory_space<vmem>> -> memref<128xi32, #tpu.memory_space<vmem>>
        %dma_start3A_85 = arith.constant 0 : i32
        %dma_start3A_86 = arith.constant 0 : i32
        %dma_start3A_87 = tpu.memref_slice %arg2[%dma_start3A_85, %dma_start3A_86] : memref<10000x128xf32, #tpu.memory_space<hbm>> -> memref<10000x128xf32, #tpu.memory_space<hbm>>
        tpu.enqueue_indirect_dma source(%dma_start3A_87 : memref<10000x128xf32, #tpu.memory_space<hbm>>) target(%arg7 : memref<128x128xf32, #tpu.memory_space<vmem>>) offsets(%dma_start3A_84 : memref<128xi32, #tpu.memory_space<vmem>>) semaphore(%arg10 : memref<!tpu.dma_semaphore, #tpu.memory_space<semaphore_mem>>)
      } else {
      }
      %add3A_69 = arith.constant 1 : i32
      %add3A_70 = arith.addi %mul3A_46, %add3A_69 : i32
      %dma_wait3A_71 = arith.constant 0 : i32
      %dma_wait3A_72 = arith.constant 0 : i32
      %dma_wait3A_73 = tpu.memref_slice %arg6[%add3A_70, %dma_wait3A_71, %dma_wait3A_72] : memref<40x2x128xi32, #tpu.memory_space<vmem>> -> memref<1x1x128xi32, #tpu.memory_space<vmem>>
      %dma_wait3A_74 = tpu.memref_squeeze %dma_wait3A_73 : memref<1x1x128xi32, #tpu.memory_space<vmem>> -> memref<128xi32, #tpu.memory_space<vmem>>
      %dma_wait3A_75 = arith.constant 0 : i32
      %dma_wait3A_76 = arith.constant 0 : i32
      %dma_wait3A_77 = tpu.memref_slice %arg2[%dma_wait3A_75, %dma_wait3A_76] : memref<10000x128xf32, #tpu.memory_space<hbm>> -> memref<10000x128xf32, #tpu.memory_space<hbm>>
      tpu.wait_indirect_dma semaphore(%arg11 : memref<!tpu.dma_semaphore, #tpu.memory_space<semaphore_mem>>) src(%dma_wait3A_77 : memref<10000x128xf32, #tpu.memory_space<hbm>>) dst(%arg8 : memref<128x128xf32, #tpu.memory_space<vmem>>)
      %run_scoped3A_78 = arith.constant 1 : i32
      "tpu.region"() ({
        %run_scoped3A_79 = tpu.sem_alloc : memref<!tpu.dma_semaphore, #tpu.memory_space<semaphore_mem>>
        %dma_start3A_80 = arith.constant 0 : i32
        %dma_start3A_81 = tpu.memref_slice %arg6[%add3A_70, %run_scoped3A_78, %dma_start3A_80] : memref<40x2x128xi32, #tpu.memory_space<vmem>> -> memref<1x1x128xi32, #tpu.memory_space<vmem>>
        %dma_start3A_82 = tpu.memref_squeeze %dma_start3A_81 : memref<1x1x128xi32, #tpu.memory_space<vmem>> -> memref<128xi32, #tpu.memory_space<vmem>>
        %dma_start3A_83 = arith.constant 0 : i32
        %dma_start3A_84 = arith.constant 0 : i32
        %dma_start3A_85 = tpu.memref_slice %arg9[%dma_start3A_83, %dma_start3A_84] : memref<10112x128xf32, #tpu.memory_space<vmem_shared>> -> memref<10112x128xf32, #tpu.memory_space<vmem_shared>>
        tpu.enqueue_indirect_dma source(%arg8 : memref<128x128xf32, #tpu.memory_space<vmem>>) target(%dma_start3A_85 : memref<10112x128xf32, #tpu.memory_space<vmem_shared>>) offsets(%dma_start3A_82 : memref<128xi32, #tpu.memory_space<vmem>>) semaphore(%run_scoped3A_79 : memref<!tpu.dma_semaphore, #tpu.memory_space<semaphore_mem>>) {add = true}
        %dma_wait3A_86 = arith.constant 0 : i32
        %dma_wait3A_87 = tpu.memref_slice %arg6[%add3A_70, %run_scoped3A_78, %dma_wait3A_86] : memref<40x2x128xi32, #tpu.memory_space<vmem>> -> memref<1x1x128xi32, #tpu.memory_space<vmem>>
        %dma_wait3A_88 = tpu.memref_squeeze %dma_wait3A_87 : memref<1x1x128xi32, #tpu.memory_space<vmem>> -> memref<128xi32, #tpu.memory_space<vmem>>
        %dma_wait3A_89 = arith.constant 0 : i32
        %dma_wait3A_90 = arith.constant 0 : i32
        %dma_wait3A_91 = tpu.memref_slice %arg9[%dma_wait3A_89, %dma_wait3A_90] : memref<10112x128xf32, #tpu.memory_space<vmem_shared>> -> memref<10112x128xf32, #tpu.memory_space<vmem_shared>>
        tpu.wait_indirect_dma semaphore(%run_scoped3A_79 : memref<!tpu.dma_semaphore, #tpu.memory_space<semaphore_mem>>) src(%arg8 : memref<128x128xf32, #tpu.memory_space<vmem>>) dst(%dma_wait3A_91 : memref<10112x128xf32, #tpu.memory_space<vmem_shared>>)
        tpu.yield
      }) : () -> ()
    }
    %scan3A_22 = arith.constant 20 : i32
    %add3A_23 = arith.constant 40 : i32
    %add3A_24 = arith.addi %add3A_6, %add3A_23 : i32
    "tpu.region"() ({
      %run_scoped3A = tpu.sem_alloc : memref<!tpu.dma_semaphore, #tpu.memory_space<semaphore_mem>>
      %dma_start3A_44 = arith.constant 0 : i32
      %dma_start3A_45 = arith.constant 0 : i32
      %dma_start3A_46 = tpu.memref_slice %arg3[%add3A_24, %dma_start3A_44, %dma_start3A_45] : memref<2580x2x128xi32, #tpu.memory_space<hbm>> -> memref<40x2x128xi32, #tpu.memory_space<hbm>>
      %dma_start3A_47 = arith.constant 0 : i32
      %dma_start3A_48 = arith.constant 0 : i32
      %dma_start3A_49 = tpu.memref_slice %arg3[%add3A_24, %dma_start3A_47, %dma_start3A_48] : memref<2580x2x128xi32, #tpu.memory_space<hbm>> -> memref<40x2x128xi32, #tpu.memory_space<hbm>>
      tpu.enqueue_dma source(%dma_start3A_49 : memref<40x2x128xi32, #tpu.memory_space<hbm>>) target(%arg6 : memref<40x2x128xi32, #tpu.memory_space<vmem>>) target_semaphore(%run_scoped3A : memref<!tpu.dma_semaphore, #tpu.memory_space<semaphore_mem>>)
      %dma_wait3A = arith.constant 0 : i32
      %dma_wait3A_50 = arith.constant 0 : i32
      %dma_wait3A_51 = tpu.memref_slice %arg3[%add3A_24, %dma_wait3A, %dma_wait3A_50] : memref<2580x2x128xi32, #tpu.memory_space<hbm>> -> memref<40x2x128xi32, #tpu.memory_space<hbm>>
      %dma_wait3A_52 = arith.constant 0 : i32
      %dma_wait3A_53 = arith.constant 0 : i32
      %dma_wait3A_54 = tpu.memref_slice %arg3[%add3A_24, %dma_wait3A_52, %dma_wait3A_53] : memref<2580x2x128xi32, #tpu.memory_space<hbm>> -> memref<40x2x128xi32, #tpu.memory_space<hbm>>
      tpu.wait_dma2 semaphore(%run_scoped3A : memref<!tpu.dma_semaphore, #tpu.memory_space<semaphore_mem>>) src(%dma_wait3A_54 : memref<40x2x128xi32, #tpu.memory_space<hbm>>) dst(%arg6 : memref<40x2x128xi32, #tpu.memory_space<vmem>>)
      tpu.yield
    }) : () -> ()
    %sub3A = arith.constant 40 : i32
    %sub3A_25 = arith.subi %add3A_10, %sub3A : i32
    %dma_start3A_26 = arith.constant 0 : i32
    %dma_start3A_27 = arith.constant 0 : i32
    %dma_start3A_28 = arith.constant 0 : i32
    %dma_start3A_29 = tpu.memref_slice %arg6[%dma_start3A_26, %dma_start3A_27, %dma_start3A_28] : memref<40x2x128xi32, #tpu.memory_space<vmem>> -> memref<1x1x128xi32, #tpu.memory_space<vmem>>
    %dma_start3A_30 = tpu.memref_squeeze %dma_start3A_29 : memref<1x1x128xi32, #tpu.memory_space<vmem>> -> memref<128xi32, #tpu.memory_space<vmem>>
    %dma_start3A_31 = arith.constant 0 : i32
    %dma_start3A_32 = arith.constant 0 : i32
    %dma_start3A_33 = tpu.memref_slice %arg2[%dma_start3A_31, %dma_start3A_32] : memref<10000x128xf32, #tpu.memory_space<hbm>> -> memref<10000x128xf32, #tpu.memory_space<hbm>>
    tpu.enqueue_indirect_dma source(%dma_start3A_33 : memref<10000x128xf32, #tpu.memory_space<hbm>>) target(%arg7 : memref<128x128xf32, #tpu.memory_space<vmem>>) offsets(%dma_start3A_30 : memref<128xi32, #tpu.memory_space<vmem>>) semaphore(%arg10 : memref<!tpu.dma_semaphore, #tpu.memory_space<semaphore_mem>>)
    %scan3A_34 = arith.constant 0 : i32
    %scan3A_35 = arith.constant 0 : i32
    %scan3A_36 = arith.constant 19 : i32
    %scan3A_37 = arith.addi %scan3A_35, %scan3A_36 : i32
    %scan3A_38 = arith.constant 1 : i32
    scf.for %scan3A_44 = %scan3A_35 to %scan3A_37 step %scan3A_38  : i32 {
      %mul3A_45 = arith.constant 2 : i32
      %mul3A_46 = arith.muli %mul3A_45, %scan3A_44 : i32
      %add3A_47 = arith.constant 1 : i32
      %add3A_48 = arith.addi %mul3A_46, %add3A_47 : i32
      %dma_start3A_49 = arith.constant 0 : i32
      %dma_start3A_50 = arith.constant 0 : i32
      %dma_start3A_51 = tpu.memref_slice %arg6[%add3A_48, %dma_start3A_49, %dma_start3A_50] : memref<40x2x128xi32, #tpu.memory_space<vmem>> -> memref<1x1x128xi32, #tpu.memory_space<vmem>>
      %dma_start3A_52 = tpu.memref_squeeze %dma_start3A_51 : memref<1x1x128xi32, #tpu.memory_space<vmem>> -> memref<128xi32, #tpu.memory_space<vmem>>
      %dma_start3A_53 = arith.constant 0 : i32
      %dma_start3A_54 = arith.constant 0 : i32
      %dma_start3A_55 = tpu.memref_slice %arg2[%dma_start3A_53, %dma_start3A_54] : memref<10000x128xf32, #tpu.memory_space<hbm>> -> memref<10000x128xf32, #tpu.memory_space<hbm>>
      tpu.enqueue_indirect_dma source(%dma_start3A_55 : memref<10000x128xf32, #tpu.memory_space<hbm>>) target(%arg8 : memref<128x128xf32, #tpu.memory_space<vmem>>) offsets(%dma_start3A_52 : memref<128xi32, #tpu.memory_space<vmem>>) semaphore(%arg11 : memref<!tpu.dma_semaphore, #tpu.memory_space<semaphore_mem>>)
      %dma_wait3A = arith.constant 0 : i32
      %dma_wait3A_56 = arith.constant 0 : i32
      %dma_wait3A_57 = tpu.memref_slice %arg6[%mul3A_46, %dma_wait3A, %dma_wait3A_56] : memref<40x2x128xi32, #tpu.memory_space<vmem>> -> memref<1x1x128xi32, #tpu.memory_space<vmem>>
      %dma_wait3A_58 = tpu.memref_squeeze %dma_wait3A_57 : memref<1x1x128xi32, #tpu.memory_space<vmem>> -> memref<128xi32, #tpu.memory_space<vmem>>
      %dma_wait3A_59 = arith.constant 0 : i32
      %dma_wait3A_60 = arith.constant 0 : i32
      %dma_wait3A_61 = tpu.memref_slice %arg2[%dma_wait3A_59, %dma_wait3A_60] : memref<10000x128xf32, #tpu.memory_space<hbm>> -> memref<10000x128xf32, #tpu.memory_space<hbm>>
      tpu.wait_indirect_dma semaphore(%arg10 : memref<!tpu.dma_semaphore, #tpu.memory_space<semaphore_mem>>) src(%dma_wait3A_61 : memref<10000x128xf32, #tpu.memory_space<hbm>>) dst(%arg7 : memref<128x128xf32, #tpu.memory_space<vmem>>)
      %run_scoped3A = arith.constant 1 : i32
      "tpu.region"() ({
        %run_scoped3A_78 = tpu.sem_alloc : memref<!tpu.dma_semaphore, #tpu.memory_space<semaphore_mem>>
        %dma_start3A_79 = arith.constant 0 : i32
        %dma_start3A_80 = tpu.memref_slice %arg6[%mul3A_46, %run_scoped3A, %dma_start3A_79] : memref<40x2x128xi32, #tpu.memory_space<vmem>> -> memref<1x1x128xi32, #tpu.memory_space<vmem>>
        %dma_start3A_81 = tpu.memref_squeeze %dma_start3A_80 : memref<1x1x128xi32, #tpu.memory_space<vmem>> -> memref<128xi32, #tpu.memory_space<vmem>>
        %dma_start3A_82 = arith.constant 0 : i32
        %dma_start3A_83 = arith.constant 0 : i32
        %dma_start3A_84 = tpu.memref_slice %arg9[%dma_start3A_82, %dma_start3A_83] : memref<10112x128xf32, #tpu.memory_space<vmem_shared>> -> memref<10112x128xf32, #tpu.memory_space<vmem_shared>>
        tpu.enqueue_indirect_dma source(%arg7 : memref<128x128xf32, #tpu.memory_space<vmem>>) target(%dma_start3A_84 : memref<10112x128xf32, #tpu.memory_space<vmem_shared>>) offsets(%dma_start3A_81 : memref<128xi32, #tpu.memory_space<vmem>>) semaphore(%run_scoped3A_78 : memref<!tpu.dma_semaphore, #tpu.memory_space<semaphore_mem>>) {add = true}
        %dma_wait3A_85 = arith.constant 0 : i32
        %dma_wait3A_86 = tpu.memref_slice %arg6[%mul3A_46, %run_scoped3A, %dma_wait3A_85] : memref<40x2x128xi32, #tpu.memory_space<vmem>> -> memref<1x1x128xi32, #tpu.memory_space<vmem>>
        %dma_wait3A_87 = tpu.memref_squeeze %dma_wait3A_86 : memref<1x1x128xi32, #tpu.memory_space<vmem>> -> memref<128xi32, #tpu.memory_space<vmem>>
        %dma_wait3A_88 = arith.constant 0 : i32
        %dma_wait3A_89 = arith.constant 0 : i32
        %dma_wait3A_90 = tpu.memref_slice %arg9[%dma_wait3A_88, %dma_wait3A_89] : memref<10112x128xf32, #tpu.memory_space<vmem_shared>> -> memref<10112x128xf32, #tpu.memory_space<vmem_shared>>
        tpu.wait_indirect_dma semaphore(%run_scoped3A_78 : memref<!tpu.dma_semaphore, #tpu.memory_space<semaphore_mem>>) src(%arg7 : memref<128x128xf32, #tpu.memory_space<vmem>>) dst(%dma_wait3A_90 : memref<10112x128xf32, #tpu.memory_space<vmem_shared>>)
        tpu.yield
      }) : () -> ()
      %add3A_62 = arith.constant 2 : i32
      %add3A_63 = arith.addi %mul3A_46, %add3A_62 : i32
      %lt3A_64 = arith.cmpi slt, %add3A_63, %sub3A_25 : i32
      %convert_element_type3A_65 = arith.extui %lt3A_64 : i1 to i32
      %cond3A_66 = arith.constant 0 : i32
      %cond3A_67 = arith.cmpi ne, %convert_element_type3A_65, %cond3A_66 : i32
      scf.if %cond3A_67 {
        %add3A_78 = arith.constant 2 : i32
        %add3A_79 = arith.addi %mul3A_46, %add3A_78 : i32
        %dma_start3A_80 = arith.constant 0 : i32
        %dma_start3A_81 = arith.constant 0 : i32
        %dma_start3A_82 = tpu.memref_slice %arg6[%add3A_79, %dma_start3A_80, %dma_start3A_81] : memref<40x2x128xi32, #tpu.memory_space<vmem>> -> memref<1x1x128xi32, #tpu.memory_space<vmem>>
        %dma_start3A_83 = tpu.memref_squeeze %dma_start3A_82 : memref<1x1x128xi32, #tpu.memory_space<vmem>> -> memref<128xi32, #tpu.memory_space<vmem>>
        %dma_start3A_84 = arith.constant 0 : i32
        %dma_start3A_85 = arith.constant 0 : i32
        %dma_start3A_86 = tpu.memref_slice %arg2[%dma_start3A_84, %dma_start3A_85] : memref<10000x128xf32, #tpu.memory_space<hbm>> -> memref<10000x128xf32, #tpu.memory_space<hbm>>
        tpu.enqueue_indirect_dma source(%dma_start3A_86 : memref<10000x128xf32, #tpu.memory_space<hbm>>) target(%arg7 : memref<128x128xf32, #tpu.memory_space<vmem>>) offsets(%dma_start3A_83 : memref<128xi32, #tpu.memory_space<vmem>>) semaphore(%arg10 : memref<!tpu.dma_semaphore, #tpu.memory_space<semaphore_mem>>)
      } else {
      }
      %add3A_68 = arith.constant 1 : i32
      %add3A_69 = arith.addi %mul3A_46, %add3A_68 : i32
      %dma_wait3A_70 = arith.constant 0 : i32
      %dma_wait3A_71 = arith.constant 0 : i32
      %dma_wait3A_72 = tpu.memref_slice %arg6[%add3A_69, %dma_wait3A_70, %dma_wait3A_71] : memref<40x2x128xi32, #tpu.memory_space<vmem>> -> memref<1x1x128xi32, #tpu.memory_space<vmem>>
      %dma_wait3A_73 = tpu.memref_squeeze %dma_wait3A_72 : memref<1x1x128xi32, #tpu.memory_space<vmem>> -> memref<128xi32, #tpu.memory_space<vmem>>
      %dma_wait3A_74 = arith.constant 0 : i32
      %dma_wait3A_75 = arith.constant 0 : i32
      %dma_wait3A_76 = tpu.memref_slice %arg2[%dma_wait3A_74, %dma_wait3A_75] : memref<10000x128xf32, #tpu.memory_space<hbm>> -> memref<10000x128xf32, #tpu.memory_space<hbm>>
      tpu.wait_indirect_dma semaphore(%arg11 : memref<!tpu.dma_semaphore, #tpu.memory_space<semaphore_mem>>) src(%dma_wait3A_76 : memref<10000x128xf32, #tpu.memory_space<hbm>>) dst(%arg8 : memref<128x128xf32, #tpu.memory_space<vmem>>)
      %run_scoped3A_77 = arith.constant 1 : i32
      "tpu.region"() ({
        %run_scoped3A_78 = tpu.sem_alloc : memref<!tpu.dma_semaphore, #tpu.memory_space<semaphore_mem>>
        %dma_start3A_79 = arith.constant 0 : i32
        %dma_start3A_80 = tpu.memref_slice %arg6[%add3A_69, %run_scoped3A_77, %dma_start3A_79] : memref<40x2x128xi32, #tpu.memory_space<vmem>> -> memref<1x1x128xi32, #tpu.memory_space<vmem>>
        %dma_start3A_81 = tpu.memref_squeeze %dma_start3A_80 : memref<1x1x128xi32, #tpu.memory_space<vmem>> -> memref<128xi32, #tpu.memory_space<vmem>>
        %dma_start3A_82 = arith.constant 0 : i32
        %dma_start3A_83 = arith.constant 0 : i32
        %dma_start3A_84 = tpu.memref_slice %arg9[%dma_start3A_82, %dma_start3A_83] : memref<10112x128xf32, #tpu.memory_space<vmem_shared>> -> memref<10112x128xf32, #tpu.memory_space<vmem_shared>>
        tpu.enqueue_indirect_dma source(%arg8 : memref<128x128xf32, #tpu.memory_space<vmem>>) target(%dma_start3A_84 : memref<10112x128xf32, #tpu.memory_space<vmem_shared>>) offsets(%dma_start3A_81 : memref<128xi32, #tpu.memory_space<vmem>>) semaphore(%run_scoped3A_78 : memref<!tpu.dma_semaphore, #tpu.memory_space<semaphore_mem>>) {add = true}
        %dma_wait3A_85 = arith.constant 0 : i32
        %dma_wait3A_86 = tpu.memref_slice %arg6[%add3A_69, %run_scoped3A_77, %dma_wait3A_85] : memref<40x2x128xi32, #tpu.memory_space<vmem>> -> memref<1x1x128xi32, #tpu.memory_space<vmem>>
        %dma_wait3A_87 = tpu.memref_squeeze %dma_wait3A_86 : memref<1x1x128xi32, #tpu.memory_space<vmem>> -> memref<128xi32, #tpu.memory_space<vmem>>
        %dma_wait3A_88 = arith.constant 0 : i32
        %dma_wait3A_89 = arith.constant 0 : i32
        %dma_wait3A_90 = tpu.memref_slice %arg9[%dma_wait3A_88, %dma_wait3A_89] : memref<10112x128xf32, #tpu.memory_space<vmem_shared>> -> memref<10112x128xf32, #tpu.memory_space<vmem_shared>>
        tpu.wait_indirect_dma semaphore(%run_scoped3A_78 : memref<!tpu.dma_semaphore, #tpu.memory_space<semaphore_mem>>) src(%arg8 : memref<128x128xf32, #tpu.memory_space<vmem>>) dst(%dma_wait3A_90 : memref<10112x128xf32, #tpu.memory_space<vmem_shared>>)
        tpu.yield
      }) : () -> ()
    }
    %scan3A_39 = arith.constant 19 : i32
    %lt3A_40 = arith.constant 4 : i32
    %lt3A_41 = arith.cmpi slt, %add3A, %lt3A_40 : i32
    %convert_element_type3A = arith.extui %lt3A_41 : i1 to i32
    %cond3A = arith.constant 0 : i32
    %cond3A_42 = arith.cmpi ne, %convert_element_type3A, %cond3A : i32
    scf.if %cond3A_42 {
      %dma_wait3A = arith.constant 38 : i32
      %dma_wait3A_44 = arith.constant 0 : i32
      %dma_wait3A_45 = arith.constant 0 : i32
      %dma_wait3A_46 = tpu.memref_slice %arg6[%dma_wait3A, %dma_wait3A_44, %dma_wait3A_45] : memref<40x2x128xi32, #tpu.memory_space<vmem>> -> memref<1x1x128xi32, #tpu.memory_space<vmem>>
      %dma_wait3A_47 = tpu.memref_squeeze %dma_wait3A_46 : memref<1x1x128xi32, #tpu.memory_space<vmem>> -> memref<128xi32, #tpu.memory_space<vmem>>
      %dma_wait3A_48 = arith.constant 0 : i32
      %dma_wait3A_49 = arith.constant 0 : i32
      %dma_wait3A_50 = tpu.memref_slice %arg2[%dma_wait3A_48, %dma_wait3A_49] : memref<10000x128xf32, #tpu.memory_space<hbm>> -> memref<10000x128xf32, #tpu.memory_space<hbm>>
      tpu.wait_indirect_dma semaphore(%arg10 : memref<!tpu.dma_semaphore, #tpu.memory_space<semaphore_mem>>) src(%dma_wait3A_50 : memref<10000x128xf32, #tpu.memory_space<hbm>>) dst(%arg7 : memref<128x128xf32, #tpu.memory_space<vmem>>)
      %run_scoped3A = arith.constant 38 : i32
      %run_scoped3A_51 = arith.constant 1 : i32
      "tpu.region"() ({
        %run_scoped3A_52 = tpu.sem_alloc : memref<!tpu.dma_semaphore, #tpu.memory_space<semaphore_mem>>
        %dma_start3A_53 = arith.constant 0 : i32
        %dma_start3A_54 = tpu.memref_slice %arg6[%run_scoped3A, %run_scoped3A_51, %dma_start3A_53] : memref<40x2x128xi32, #tpu.memory_space<vmem>> -> memref<1x1x128xi32, #tpu.memory_space<vmem>>
        %dma_start3A_55 = tpu.memref_squeeze %dma_start3A_54 : memref<1x1x128xi32, #tpu.memory_space<vmem>> -> memref<128xi32, #tpu.memory_space<vmem>>
        %dma_start3A_56 = arith.constant 0 : i32
        %dma_start3A_57 = arith.constant 0 : i32
        %dma_start3A_58 = tpu.memref_slice %arg9[%dma_start3A_56, %dma_start3A_57] : memref<10112x128xf32, #tpu.memory_space<vmem_shared>> -> memref<10112x128xf32, #tpu.memory_space<vmem_shared>>
        tpu.enqueue_indirect_dma source(%arg7 : memref<128x128xf32, #tpu.memory_space<vmem>>) target(%dma_start3A_58 : memref<10112x128xf32, #tpu.memory_space<vmem_shared>>) offsets(%dma_start3A_55 : memref<128xi32, #tpu.memory_space<vmem>>) semaphore(%run_scoped3A_52 : memref<!tpu.dma_semaphore, #tpu.memory_space<semaphore_mem>>) {add = true}
        %dma_wait3A_59 = arith.constant 0 : i32
        %dma_wait3A_60 = tpu.memref_slice %arg6[%run_scoped3A, %run_scoped3A_51, %dma_wait3A_59] : memref<40x2x128xi32, #tpu.memory_space<vmem>> -> memref<1x1x128xi32, #tpu.memory_space<vmem>>
        %dma_wait3A_61 = tpu.memref_squeeze %dma_wait3A_60 : memref<1x1x128xi32, #tpu.memory_space<vmem>> -> memref<128xi32, #tpu.memory_space<vmem>>
        %dma_wait3A_62 = arith.constant 0 : i32
        %dma_wait3A_63 = arith.constant 0 : i32
        %dma_wait3A_64 = tpu.memref_slice %arg9[%dma_wait3A_62, %dma_wait3A_63] : memref<10112x128xf32, #tpu.memory_space<vmem_shared>> -> memref<10112x128xf32, #tpu.memory_space<vmem_shared>>
        tpu.wait_indirect_dma semaphore(%run_scoped3A_52 : memref<!tpu.dma_semaphore, #tpu.memory_space<semaphore_mem>>) src(%arg7 : memref<128x128xf32, #tpu.memory_space<vmem>>) dst(%dma_wait3A_64 : memref<10112x128xf32, #tpu.memory_space<vmem_shared>>)
        tpu.yield
      }) : () -> ()
    } else {
    }
    %barrier3A_43 = arith.constant 0 : index
    tpu.barrier barrier_id(%barrier3A_43)
    "tpu.region"() ({
      %run_scoped3A = tpu.sem_alloc : memref<!tpu.dma_semaphore, #tpu.memory_space<semaphore_mem>>
      %dma_start3A_44 = arith.constant 0 : i32
      %dma_start3A_45 = tpu.memref_slice %arg5[%arg0, %mul3A_2, %dma_start3A_44] : memref<2x10112x128xf32, #tpu.memory_space<hbm>> -> memref<1x632x128xf32, #tpu.memory_space<hbm>>
      %dma_start3A_46 = tpu.memref_squeeze %dma_start3A_45 : memref<1x632x128xf32, #tpu.memory_space<hbm>> -> memref<632x128xf32, #tpu.memory_space<hbm>>
      %dma_start3A_47 = arith.constant 0 : i32
      %dma_start3A_48 = tpu.memref_slice %arg9[%mul3A_2, %dma_start3A_47] : memref<10112x128xf32, #tpu.memory_space<vmem_shared>> -> memref<632x128xf32, #tpu.memory_space<vmem_shared>>
      tpu.enqueue_dma source(%dma_start3A_48 : memref<632x128xf32, #tpu.memory_space<vmem_shared>>) target(%dma_start3A_46 : memref<632x128xf32, #tpu.memory_space<hbm>>) target_semaphore(%run_scoped3A : memref<!tpu.dma_semaphore, #tpu.memory_space<semaphore_mem>>)
      %dma_wait3A = arith.constant 0 : i32
      %dma_wait3A_49 = tpu.memref_slice %arg5[%arg0, %mul3A_2, %dma_wait3A] : memref<2x10112x128xf32, #tpu.memory_space<hbm>> -> memref<1x632x128xf32, #tpu.memory_space<hbm>>
      %dma_wait3A_50 = tpu.memref_squeeze %dma_wait3A_49 : memref<1x632x128xf32, #tpu.memory_space<hbm>> -> memref<632x128xf32, #tpu.memory_space<hbm>>
      %dma_wait3A_51 = arith.constant 0 : i32
      %dma_wait3A_52 = tpu.memref_slice %arg9[%mul3A_2, %dma_wait3A_51] : memref<10112x128xf32, #tpu.memory_space<vmem_shared>> -> memref<632x128xf32, #tpu.memory_space<vmem_shared>>
      tpu.wait_dma2 semaphore(%run_scoped3A : memref<!tpu.dma_semaphore, #tpu.memory_space<semaphore_mem>>) src(%dma_wait3A_52 : memref<632x128xf32, #tpu.memory_space<vmem_shared>>) dst(%dma_wait3A_50 : memref<632x128xf32, #tpu.memory_space<hbm>>)
      tpu.yield
    }) : () -> ()
    return
  }
}

#map = affine_map<(d0, d1) -> (0, 0)>
#map1 = affine_map<(d0, d1) -> (0, 0, 0)>
module attributes {stable_mosaic.version = 14 : i64} {
  func.func @_seg(%arg0: i32, %arg1: i32, %arg2: memref<10000x128xf32, #tpu.memory_space<hbm>>, %arg3: memref<2580x2x128xi32, #tpu.memory_space<hbm>>, %arg4: memref<10112x128xf32, #tpu.memory_space<hbm>>, %arg5: memref<2x10112x128xf32, #tpu.memory_space<hbm>>, %arg6: memref<40x2x128xi32, #tpu.memory_space<vmem>>, %arg7: memref<128x128xf32, #tpu.memory_space<vmem>>, %arg8: memref<128x128xf32, #tpu.memory_space<vmem>>, %arg9: memref<10112x128xf32, #tpu.memory_space<vmem_shared>>, %arg10: memref<!tpu.dma_semaphore, #tpu.memory_space<semaphore_mem>>, %arg11: memref<!tpu.dma_semaphore, #tpu.memory_space<semaphore_mem>>) attributes {dimension_semantics = [#tpu.dimension_semantics<core_parallel>, #tpu.dimension_semantics<subcore_parallel>], iteration_bounds = array<i64: 2, 16>, scalar_prefetch = 0 : i64, scratch_operands = 6 : i64, tpu.core_type = #tpu.core_type<sc_vector_subcore>, window_params = [{transform_indices = #map}, {transform_indices = #map1}, {transform_indices = #map}, {transform_indices = #map1}]} {
    %mul3A = arith.constant 2 : i32
    %mul3A_0 = arith.muli %arg1, %mul3A : i32
    %add3A = arith.addi %mul3A_0, %arg0 : i32
    %mul3A_1 = arith.constant 632 : i32
    %mul3A_2 = arith.muli %arg1, %mul3A_1 : i32
    "tpu.region"() ({
      %run_scoped3A = tpu.sem_alloc : memref<!tpu.dma_semaphore, #tpu.memory_space<semaphore_mem>>
      %dma_start3A_44 = arith.constant 0 : i32
      %dma_start3A_45 = tpu.memref_slice %arg9[%mul3A_2, %dma_start3A_44] : memref<10112x128xf32, #tpu.memory_space<vmem_shared>> -> memref<632x128xf32, #tpu.memory_space<vmem_shared>>
      %dma_start3A_46 = arith.constant 0 : i32
      %dma_start3A_47 = tpu.memref_slice %arg4[%mul3A_2, %dma_start3A_46] : memref<10112x128xf32, #tpu.memory_space<hbm>> -> memref<632x128xf32, #tpu.memory_space<hbm>>
      tpu.enqueue_dma source(%dma_start3A_47 : memref<632x128xf32, #tpu.memory_space<hbm>>) target(%dma_start3A_45 : memref<632x128xf32, #tpu.memory_space<vmem_shared>>) target_semaphore(%run_scoped3A : memref<!tpu.dma_semaphore, #tpu.memory_space<semaphore_mem>>)
      %dma_wait3A = arith.constant 0 : i32
      %dma_wait3A_48 = tpu.memref_slice %arg9[%mul3A_2, %dma_wait3A] : memref<10112x128xf32, #tpu.memory_space<vmem_shared>> -> memref<632x128xf32, #tpu.memory_space<vmem_shared>>
      %dma_wait3A_49 = arith.constant 0 : i32
      %dma_wait3A_50 = tpu.memref_slice %arg4[%mul3A_2, %dma_wait3A_49] : memref<10112x128xf32, #tpu.memory_space<hbm>> -> memref<632x128xf32, #tpu.memory_space<hbm>>
      tpu.wait_dma2 semaphore(%run_scoped3A : memref<!tpu.dma_semaphore, #tpu.memory_space<semaphore_mem>>) src(%dma_wait3A_50 : memref<632x128xf32, #tpu.memory_space<hbm>>) dst(%dma_wait3A_48 : memref<632x128xf32, #tpu.memory_space<vmem_shared>>)
      tpu.yield
    }) : () -> ()
    %mul3A_3 = arith.constant 78 : i32
    %mul3A_4 = arith.muli %mul3A_3, %add3A : i32
    %min3A = arith.constant 4 : i32
    %min3A_5 = arith.minsi %add3A, %min3A : i32
    %add3A_6 = arith.addi %mul3A_4, %min3A_5 : i32
    %lt3A = arith.constant 4 : i32
    %lt3A_7 = arith.cmpi slt, %add3A, %lt3A : i32
    %jit3A = arith.constant 1 : i32
    %jit3A_8 = arith.constant 0 : i32
    %select_n3A = arith.select %lt3A_7, %jit3A, %jit3A_8 : i32
    %add3A_9 = arith.constant 78 : i32
    %add3A_10 = arith.addi %add3A_9, %select_n3A : i32
    "tpu.region"() ({
      %run_scoped3A = tpu.sem_alloc : memref<!tpu.dma_semaphore, #tpu.memory_space<semaphore_mem>>
      %dma_start3A_44 = arith.constant 0 : i32
      %dma_start3A_45 = arith.constant 0 : i32
      %dma_start3A_46 = tpu.memref_slice %arg3[%add3A_6, %dma_start3A_44, %dma_start3A_45] : memref<2580x2x128xi32, #tpu.memory_space<hbm>> -> memref<40x2x128xi32, #tpu.memory_space<hbm>>
      %dma_start3A_47 = arith.constant 0 : i32
      %dma_start3A_48 = arith.constant 0 : i32
      %dma_start3A_49 = tpu.memref_slice %arg3[%add3A_6, %dma_start3A_47, %dma_start3A_48] : memref<2580x2x128xi32, #tpu.memory_space<hbm>> -> memref<40x2x128xi32, #tpu.memory_space<hbm>>
      tpu.enqueue_dma source(%dma_start3A_49 : memref<40x2x128xi32, #tpu.memory_space<hbm>>) target(%arg6 : memref<40x2x128xi32, #tpu.memory_space<vmem>>) target_semaphore(%run_scoped3A : memref<!tpu.dma_semaphore, #tpu.memory_space<semaphore_mem>>)
      %dma_wait3A = arith.constant 0 : i32
      %dma_wait3A_50 = arith.constant 0 : i32
      %dma_wait3A_51 = tpu.memref_slice %arg3[%add3A_6, %dma_wait3A, %dma_wait3A_50] : memref<2580x2x128xi32, #tpu.memory_space<hbm>> -> memref<40x2x128xi32, #tpu.memory_space<hbm>>
      %dma_wait3A_52 = arith.constant 0 : i32
      %dma_wait3A_53 = arith.constant 0 : i32
      %dma_wait3A_54 = tpu.memref_slice %arg3[%add3A_6, %dma_wait3A_52, %dma_wait3A_53] : memref<2580x2x128xi32, #tpu.memory_space<hbm>> -> memref<40x2x128xi32, #tpu.memory_space<hbm>>
      tpu.wait_dma2 semaphore(%run_scoped3A : memref<!tpu.dma_semaphore, #tpu.memory_space<semaphore_mem>>) src(%dma_wait3A_54 : memref<40x2x128xi32, #tpu.memory_space<hbm>>) dst(%arg6 : memref<40x2x128xi32, #tpu.memory_space<vmem>>)
      tpu.yield
    }) : () -> ()
    %barrier3A = arith.constant 0 : index
    tpu.barrier barrier_id(%barrier3A)
    %dma_start3A = arith.constant 0 : i32
    %dma_start3A_11 = arith.constant 0 : i32
    %dma_start3A_12 = arith.constant 0 : i32
    %dma_start3A_13 = tpu.memref_slice %arg6[%dma_start3A, %dma_start3A_11, %dma_start3A_12] : memref<40x2x128xi32, #tpu.memory_space<vmem>> -> memref<1x1x128xi32, #tpu.memory_space<vmem>>
    %dma_start3A_14 = tpu.memref_squeeze %dma_start3A_13 : memref<1x1x128xi32, #tpu.memory_space<vmem>> -> memref<128xi32, #tpu.memory_space<vmem>>
    %dma_start3A_15 = arith.constant 0 : i32
    %dma_start3A_16 = arith.constant 0 : i32
    %dma_start3A_17 = tpu.memref_slice %arg2[%dma_start3A_15, %dma_start3A_16] : memref<10000x128xf32, #tpu.memory_space<hbm>> -> memref<10000x128xf32, #tpu.memory_space<hbm>>
    tpu.enqueue_indirect_dma source(%dma_start3A_17 : memref<10000x128xf32, #tpu.memory_space<hbm>>) target(%arg7 : memref<128x128xf32, #tpu.memory_space<vmem>>) offsets(%dma_start3A_14 : memref<128xi32, #tpu.memory_space<vmem>>) semaphore(%arg10 : memref<!tpu.dma_semaphore, #tpu.memory_space<semaphore_mem>>)
    %scan3A = arith.constant 0 : i32
    %scan3A_18 = arith.constant 0 : i32
    %scan3A_19 = arith.constant 20 : i32
    %scan3A_20 = arith.addi %scan3A_18, %scan3A_19 : i32
    %scan3A_21 = arith.constant 1 : i32
    scf.for %scan3A_44 = %scan3A_18 to %scan3A_20 step %scan3A_21  : i32 {
      %mul3A_45 = arith.constant 2 : i32
      %mul3A_46 = arith.muli %mul3A_45, %scan3A_44 : i32
      %add3A_47 = arith.constant 1 : i32
      %add3A_48 = arith.addi %mul3A_46, %add3A_47 : i32
      %dma_start3A_49 = arith.constant 0 : i32
      %dma_start3A_50 = arith.constant 0 : i32
      %dma_start3A_51 = tpu.memref_slice %arg6[%add3A_48, %dma_start3A_49, %dma_start3A_50] : memref<40x2x128xi32, #tpu.memory_space<vmem>> -> memref<1x1x128xi32, #tpu.memory_space<vmem>>
      %dma_start3A_52 = tpu.memref_squeeze %dma_start3A_51 : memref<1x1x128xi32, #tpu.memory_space<vmem>> -> memref<128xi32, #tpu.memory_space<vmem>>
      %dma_start3A_53 = arith.constant 0 : i32
      %dma_start3A_54 = arith.constant 0 : i32
      %dma_start3A_55 = tpu.memref_slice %arg2[%dma_start3A_53, %dma_start3A_54] : memref<10000x128xf32, #tpu.memory_space<hbm>> -> memref<10000x128xf32, #tpu.memory_space<hbm>>
      tpu.enqueue_indirect_dma source(%dma_start3A_55 : memref<10000x128xf32, #tpu.memory_space<hbm>>) target(%arg8 : memref<128x128xf32, #tpu.memory_space<vmem>>) offsets(%dma_start3A_52 : memref<128xi32, #tpu.memory_space<vmem>>) semaphore(%arg11 : memref<!tpu.dma_semaphore, #tpu.memory_space<semaphore_mem>>)
      %dma_wait3A = arith.constant 0 : i32
      %dma_wait3A_56 = arith.constant 0 : i32
      %dma_wait3A_57 = tpu.memref_slice %arg6[%mul3A_46, %dma_wait3A, %dma_wait3A_56] : memref<40x2x128xi32, #tpu.memory_space<vmem>> -> memref<1x1x128xi32, #tpu.memory_space<vmem>>
      %dma_wait3A_58 = tpu.memref_squeeze %dma_wait3A_57 : memref<1x1x128xi32, #tpu.memory_space<vmem>> -> memref<128xi32, #tpu.memory_space<vmem>>
      %dma_wait3A_59 = arith.constant 0 : i32
      %dma_wait3A_60 = arith.constant 0 : i32
      %dma_wait3A_61 = tpu.memref_slice %arg2[%dma_wait3A_59, %dma_wait3A_60] : memref<10000x128xf32, #tpu.memory_space<hbm>> -> memref<10000x128xf32, #tpu.memory_space<hbm>>
      tpu.wait_indirect_dma semaphore(%arg10 : memref<!tpu.dma_semaphore, #tpu.memory_space<semaphore_mem>>) src(%dma_wait3A_61 : memref<10000x128xf32, #tpu.memory_space<hbm>>) dst(%arg7 : memref<128x128xf32, #tpu.memory_space<vmem>>)
      %run_scoped3A = arith.constant 1 : i32
      "tpu.region"() ({
        %run_scoped3A_79 = tpu.sem_alloc : memref<!tpu.dma_semaphore, #tpu.memory_space<semaphore_mem>>
        %dma_start3A_80 = arith.constant 0 : i32
        %dma_start3A_81 = tpu.memref_slice %arg6[%mul3A_46, %run_scoped3A, %dma_start3A_80] : memref<40x2x128xi32, #tpu.memory_space<vmem>> -> memref<1x1x128xi32, #tpu.memory_space<vmem>>
        %dma_start3A_82 = tpu.memref_squeeze %dma_start3A_81 : memref<1x1x128xi32, #tpu.memory_space<vmem>> -> memref<128xi32, #tpu.memory_space<vmem>>
        %dma_start3A_83 = arith.constant 0 : i32
        %dma_start3A_84 = arith.constant 0 : i32
        %dma_start3A_85 = tpu.memref_slice %arg9[%dma_start3A_83, %dma_start3A_84] : memref<10112x128xf32, #tpu.memory_space<vmem_shared>> -> memref<10112x128xf32, #tpu.memory_space<vmem_shared>>
        tpu.enqueue_indirect_dma source(%arg7 : memref<128x128xf32, #tpu.memory_space<vmem>>) target(%dma_start3A_85 : memref<10112x128xf32, #tpu.memory_space<vmem_shared>>) offsets(%dma_start3A_82 : memref<128xi32, #tpu.memory_space<vmem>>) semaphore(%run_scoped3A_79 : memref<!tpu.dma_semaphore, #tpu.memory_space<semaphore_mem>>) {add = true}
        %dma_wait3A_86 = arith.constant 0 : i32
        %dma_wait3A_87 = tpu.memref_slice %arg6[%mul3A_46, %run_scoped3A, %dma_wait3A_86] : memref<40x2x128xi32, #tpu.memory_space<vmem>> -> memref<1x1x128xi32, #tpu.memory_space<vmem>>
        %dma_wait3A_88 = tpu.memref_squeeze %dma_wait3A_87 : memref<1x1x128xi32, #tpu.memory_space<vmem>> -> memref<128xi32, #tpu.memory_space<vmem>>
        %dma_wait3A_89 = arith.constant 0 : i32
        %dma_wait3A_90 = arith.constant 0 : i32
        %dma_wait3A_91 = tpu.memref_slice %arg9[%dma_wait3A_89, %dma_wait3A_90] : memref<10112x128xf32, #tpu.memory_space<vmem_shared>> -> memref<10112x128xf32, #tpu.memory_space<vmem_shared>>
        tpu.wait_indirect_dma semaphore(%run_scoped3A_79 : memref<!tpu.dma_semaphore, #tpu.memory_space<semaphore_mem>>) src(%arg7 : memref<128x128xf32, #tpu.memory_space<vmem>>) dst(%dma_wait3A_91 : memref<10112x128xf32, #tpu.memory_space<vmem_shared>>)
        tpu.yield
      }) : () -> ()
      %add3A_62 = arith.constant 2 : i32
      %add3A_63 = arith.addi %mul3A_46, %add3A_62 : i32
      %lt3A_64 = arith.constant 40 : i32
      %lt3A_65 = arith.cmpi slt, %add3A_63, %lt3A_64 : i32
      %convert_element_type3A_66 = arith.extui %lt3A_65 : i1 to i32
      %cond3A_67 = arith.constant 0 : i32
      %cond3A_68 = arith.cmpi ne, %convert_element_type3A_66, %cond3A_67 : i32
      scf.if %cond3A_68 {
        %add3A_79 = arith.constant 2 : i32
        %add3A_80 = arith.addi %mul3A_46, %add3A_79 : i32
        %dma_start3A_81 = arith.constant 0 : i32
        %dma_start3A_82 = arith.constant 0 : i32
        %dma_start3A_83 = tpu.memref_slice %arg6[%add3A_80, %dma_start3A_81, %dma_start3A_82] : memref<40x2x128xi32, #tpu.memory_space<vmem>> -> memref<1x1x128xi32, #tpu.memory_space<vmem>>
        %dma_start3A_84 = tpu.memref_squeeze %dma_start3A_83 : memref<1x1x128xi32, #tpu.memory_space<vmem>> -> memref<128xi32, #tpu.memory_space<vmem>>
        %dma_start3A_85 = arith.constant 0 : i32
        %dma_start3A_86 = arith.constant 0 : i32
        %dma_start3A_87 = tpu.memref_slice %arg2[%dma_start3A_85, %dma_start3A_86] : memref<10000x128xf32, #tpu.memory_space<hbm>> -> memref<10000x128xf32, #tpu.memory_space<hbm>>
        tpu.enqueue_indirect_dma source(%dma_start3A_87 : memref<10000x128xf32, #tpu.memory_space<hbm>>) target(%arg7 : memref<128x128xf32, #tpu.memory_space<vmem>>) offsets(%dma_start3A_84 : memref<128xi32, #tpu.memory_space<vmem>>) semaphore(%arg10 : memref<!tpu.dma_semaphore, #tpu.memory_space<semaphore_mem>>)
      } else {
      }
      %add3A_69 = arith.constant 1 : i32
      %add3A_70 = arith.addi %mul3A_46, %add3A_69 : i32
      %dma_wait3A_71 = arith.constant 0 : i32
      %dma_wait3A_72 = arith.constant 0 : i32
      %dma_wait3A_73 = tpu.memref_slice %arg6[%add3A_70, %dma_wait3A_71, %dma_wait3A_72] : memref<40x2x128xi32, #tpu.memory_space<vmem>> -> memref<1x1x128xi32, #tpu.memory_space<vmem>>
      %dma_wait3A_74 = tpu.memref_squeeze %dma_wait3A_73 : memref<1x1x128xi32, #tpu.memory_space<vmem>> -> memref<128xi32, #tpu.memory_space<vmem>>
      %dma_wait3A_75 = arith.constant 0 : i32
      %dma_wait3A_76 = arith.constant 0 : i32
      %dma_wait3A_77 = tpu.memref_slice %arg2[%dma_wait3A_75, %dma_wait3A_76] : memref<10000x128xf32, #tpu.memory_space<hbm>> -> memref<10000x128xf32, #tpu.memory_space<hbm>>
      tpu.wait_indirect_dma semaphore(%arg11 : memref<!tpu.dma_semaphore, #tpu.memory_space<semaphore_mem>>) src(%dma_wait3A_77 : memref<10000x128xf32, #tpu.memory_space<hbm>>) dst(%arg8 : memref<128x128xf32, #tpu.memory_space<vmem>>)
      %run_scoped3A_78 = arith.constant 1 : i32
      "tpu.region"() ({
        %run_scoped3A_79 = tpu.sem_alloc : memref<!tpu.dma_semaphore, #tpu.memory_space<semaphore_mem>>
        %dma_start3A_80 = arith.constant 0 : i32
        %dma_start3A_81 = tpu.memref_slice %arg6[%add3A_70, %run_scoped3A_78, %dma_start3A_80] : memref<40x2x128xi32, #tpu.memory_space<vmem>> -> memref<1x1x128xi32, #tpu.memory_space<vmem>>
        %dma_start3A_82 = tpu.memref_squeeze %dma_start3A_81 : memref<1x1x128xi32, #tpu.memory_space<vmem>> -> memref<128xi32, #tpu.memory_space<vmem>>
        %dma_start3A_83 = arith.constant 0 : i32
        %dma_start3A_84 = arith.constant 0 : i32
        %dma_start3A_85 = tpu.memref_slice %arg9[%dma_start3A_83, %dma_start3A_84] : memref<10112x128xf32, #tpu.memory_space<vmem_shared>> -> memref<10112x128xf32, #tpu.memory_space<vmem_shared>>
        tpu.enqueue_indirect_dma source(%arg8 : memref<128x128xf32, #tpu.memory_space<vmem>>) target(%dma_start3A_85 : memref<10112x128xf32, #tpu.memory_space<vmem_shared>>) offsets(%dma_start3A_82 : memref<128xi32, #tpu.memory_space<vmem>>) semaphore(%run_scoped3A_79 : memref<!tpu.dma_semaphore, #tpu.memory_space<semaphore_mem>>) {add = true}
        %dma_wait3A_86 = arith.constant 0 : i32
        %dma_wait3A_87 = tpu.memref_slice %arg6[%add3A_70, %run_scoped3A_78, %dma_wait3A_86] : memref<40x2x128xi32, #tpu.memory_space<vmem>> -> memref<1x1x128xi32, #tpu.memory_space<vmem>>
        %dma_wait3A_88 = tpu.memref_squeeze %dma_wait3A_87 : memref<1x1x128xi32, #tpu.memory_space<vmem>> -> memref<128xi32, #tpu.memory_space<vmem>>
        %dma_wait3A_89 = arith.constant 0 : i32
        %dma_wait3A_90 = arith.constant 0 : i32
        %dma_wait3A_91 = tpu.memref_slice %arg9[%dma_wait3A_89, %dma_wait3A_90] : memref<10112x128xf32, #tpu.memory_space<vmem_shared>> -> memref<10112x128xf32, #tpu.memory_space<vmem_shared>>
        tpu.wait_indirect_dma semaphore(%run_scoped3A_79 : memref<!tpu.dma_semaphore, #tpu.memory_space<semaphore_mem>>) src(%arg8 : memref<128x128xf32, #tpu.memory_space<vmem>>) dst(%dma_wait3A_91 : memref<10112x128xf32, #tpu.memory_space<vmem_shared>>)
        tpu.yield
      }) : () -> ()
    }
    %scan3A_22 = arith.constant 20 : i32
    %add3A_23 = arith.constant 40 : i32
    %add3A_24 = arith.addi %add3A_6, %add3A_23 : i32
    "tpu.region"() ({
      %run_scoped3A = tpu.sem_alloc : memref<!tpu.dma_semaphore, #tpu.memory_space<semaphore_mem>>
      %dma_start3A_44 = arith.constant 0 : i32
      %dma_start3A_45 = arith.constant 0 : i32
      %dma_start3A_46 = tpu.memref_slice %arg3[%add3A_24, %dma_start3A_44, %dma_start3A_45] : memref<2580x2x128xi32, #tpu.memory_space<hbm>> -> memref<40x2x128xi32, #tpu.memory_space<hbm>>
      %dma_start3A_47 = arith.constant 0 : i32
      %dma_start3A_48 = arith.constant 0 : i32
      %dma_start3A_49 = tpu.memref_slice %arg3[%add3A_24, %dma_start3A_47, %dma_start3A_48] : memref<2580x2x128xi32, #tpu.memory_space<hbm>> -> memref<40x2x128xi32, #tpu.memory_space<hbm>>
      tpu.enqueue_dma source(%dma_start3A_49 : memref<40x2x128xi32, #tpu.memory_space<hbm>>) target(%arg6 : memref<40x2x128xi32, #tpu.memory_space<vmem>>) target_semaphore(%run_scoped3A : memref<!tpu.dma_semaphore, #tpu.memory_space<semaphore_mem>>)
      %dma_wait3A = arith.constant 0 : i32
      %dma_wait3A_50 = arith.constant 0 : i32
      %dma_wait3A_51 = tpu.memref_slice %arg3[%add3A_24, %dma_wait3A, %dma_wait3A_50] : memref<2580x2x128xi32, #tpu.memory_space<hbm>> -> memref<40x2x128xi32, #tpu.memory_space<hbm>>
      %dma_wait3A_52 = arith.constant 0 : i32
      %dma_wait3A_53 = arith.constant 0 : i32
      %dma_wait3A_54 = tpu.memref_slice %arg3[%add3A_24, %dma_wait3A_52, %dma_wait3A_53] : memref<2580x2x128xi32, #tpu.memory_space<hbm>> -> memref<40x2x128xi32, #tpu.memory_space<hbm>>
      tpu.wait_dma2 semaphore(%run_scoped3A : memref<!tpu.dma_semaphore, #tpu.memory_space<semaphore_mem>>) src(%dma_wait3A_54 : memref<40x2x128xi32, #tpu.memory_space<hbm>>) dst(%arg6 : memref<40x2x128xi32, #tpu.memory_space<vmem>>)
      tpu.yield
    }) : () -> ()
    %sub3A = arith.constant 40 : i32
    %sub3A_25 = arith.subi %add3A_10, %sub3A : i32
    %dma_start3A_26 = arith.constant 0 : i32
    %dma_start3A_27 = arith.constant 0 : i32
    %dma_start3A_28 = arith.constant 0 : i32
    %dma_start3A_29 = tpu.memref_slice %arg6[%dma_start3A_26, %dma_start3A_27, %dma_start3A_28] : memref<40x2x128xi32, #tpu.memory_space<vmem>> -> memref<1x1x128xi32, #tpu.memory_space<vmem>>
    %dma_start3A_30 = tpu.memref_squeeze %dma_start3A_29 : memref<1x1x128xi32, #tpu.memory_space<vmem>> -> memref<128xi32, #tpu.memory_space<vmem>>
    %dma_start3A_31 = arith.constant 0 : i32
    %dma_start3A_32 = arith.constant 0 : i32
    %dma_start3A_33 = tpu.memref_slice %arg2[%dma_start3A_31, %dma_start3A_32] : memref<10000x128xf32, #tpu.memory_space<hbm>> -> memref<10000x128xf32, #tpu.memory_space<hbm>>
    tpu.enqueue_indirect_dma source(%dma_start3A_33 : memref<10000x128xf32, #tpu.memory_space<hbm>>) target(%arg7 : memref<128x128xf32, #tpu.memory_space<vmem>>) offsets(%dma_start3A_30 : memref<128xi32, #tpu.memory_space<vmem>>) semaphore(%arg10 : memref<!tpu.dma_semaphore, #tpu.memory_space<semaphore_mem>>)
    %scan3A_34 = arith.constant 0 : i32
    %scan3A_35 = arith.constant 0 : i32
    %scan3A_36 = arith.constant 19 : i32
    %scan3A_37 = arith.addi %scan3A_35, %scan3A_36 : i32
    %scan3A_38 = arith.constant 1 : i32
    scf.for %scan3A_44 = %scan3A_35 to %scan3A_37 step %scan3A_38  : i32 {
      %mul3A_45 = arith.constant 2 : i32
      %mul3A_46 = arith.muli %mul3A_45, %scan3A_44 : i32
      %add3A_47 = arith.constant 1 : i32
      %add3A_48 = arith.addi %mul3A_46, %add3A_47 : i32
      %dma_start3A_49 = arith.constant 0 : i32
      %dma_start3A_50 = arith.constant 0 : i32
      %dma_start3A_51 = tpu.memref_slice %arg6[%add3A_48, %dma_start3A_49, %dma_start3A_50] : memref<40x2x128xi32, #tpu.memory_space<vmem>> -> memref<1x1x128xi32, #tpu.memory_space<vmem>>
      %dma_start3A_52 = tpu.memref_squeeze %dma_start3A_51 : memref<1x1x128xi32, #tpu.memory_space<vmem>> -> memref<128xi32, #tpu.memory_space<vmem>>
      %dma_start3A_53 = arith.constant 0 : i32
      %dma_start3A_54 = arith.constant 0 : i32
      %dma_start3A_55 = tpu.memref_slice %arg2[%dma_start3A_53, %dma_start3A_54] : memref<10000x128xf32, #tpu.memory_space<hbm>> -> memref<10000x128xf32, #tpu.memory_space<hbm>>
      tpu.enqueue_indirect_dma source(%dma_start3A_55 : memref<10000x128xf32, #tpu.memory_space<hbm>>) target(%arg8 : memref<128x128xf32, #tpu.memory_space<vmem>>) offsets(%dma_start3A_52 : memref<128xi32, #tpu.memory_space<vmem>>) semaphore(%arg11 : memref<!tpu.dma_semaphore, #tpu.memory_space<semaphore_mem>>)
      %dma_wait3A = arith.constant 0 : i32
      %dma_wait3A_56 = arith.constant 0 : i32
      %dma_wait3A_57 = tpu.memref_slice %arg6[%mul3A_46, %dma_wait3A, %dma_wait3A_56] : memref<40x2x128xi32, #tpu.memory_space<vmem>> -> memref<1x1x128xi32, #tpu.memory_space<vmem>>
      %dma_wait3A_58 = tpu.memref_squeeze %dma_wait3A_57 : memref<1x1x128xi32, #tpu.memory_space<vmem>> -> memref<128xi32, #tpu.memory_space<vmem>>
      %dma_wait3A_59 = arith.constant 0 : i32
      %dma_wait3A_60 = arith.constant 0 : i32
      %dma_wait3A_61 = tpu.memref_slice %arg2[%dma_wait3A_59, %dma_wait3A_60] : memref<10000x128xf32, #tpu.memory_space<hbm>> -> memref<10000x128xf32, #tpu.memory_space<hbm>>
      tpu.wait_indirect_dma semaphore(%arg10 : memref<!tpu.dma_semaphore, #tpu.memory_space<semaphore_mem>>) src(%dma_wait3A_61 : memref<10000x128xf32, #tpu.memory_space<hbm>>) dst(%arg7 : memref<128x128xf32, #tpu.memory_space<vmem>>)
      %run_scoped3A = arith.constant 1 : i32
      "tpu.region"() ({
        %run_scoped3A_78 = tpu.sem_alloc : memref<!tpu.dma_semaphore, #tpu.memory_space<semaphore_mem>>
        %dma_start3A_79 = arith.constant 0 : i32
        %dma_start3A_80 = tpu.memref_slice %arg6[%mul3A_46, %run_scoped3A, %dma_start3A_79] : memref<40x2x128xi32, #tpu.memory_space<vmem>> -> memref<1x1x128xi32, #tpu.memory_space<vmem>>
        %dma_start3A_81 = tpu.memref_squeeze %dma_start3A_80 : memref<1x1x128xi32, #tpu.memory_space<vmem>> -> memref<128xi32, #tpu.memory_space<vmem>>
        %dma_start3A_82 = arith.constant 0 : i32
        %dma_start3A_83 = arith.constant 0 : i32
        %dma_start3A_84 = tpu.memref_slice %arg9[%dma_start3A_82, %dma_start3A_83] : memref<10112x128xf32, #tpu.memory_space<vmem_shared>> -> memref<10112x128xf32, #tpu.memory_space<vmem_shared>>
        tpu.enqueue_indirect_dma source(%arg7 : memref<128x128xf32, #tpu.memory_space<vmem>>) target(%dma_start3A_84 : memref<10112x128xf32, #tpu.memory_space<vmem_shared>>) offsets(%dma_start3A_81 : memref<128xi32, #tpu.memory_space<vmem>>) semaphore(%run_scoped3A_78 : memref<!tpu.dma_semaphore, #tpu.memory_space<semaphore_mem>>) {add = true}
        %dma_wait3A_85 = arith.constant 0 : i32
        %dma_wait3A_86 = tpu.memref_slice %arg6[%mul3A_46, %run_scoped3A, %dma_wait3A_85] : memref<40x2x128xi32, #tpu.memory_space<vmem>> -> memref<1x1x128xi32, #tpu.memory_space<vmem>>
        %dma_wait3A_87 = tpu.memref_squeeze %dma_wait3A_86 : memref<1x1x128xi32, #tpu.memory_space<vmem>> -> memref<128xi32, #tpu.memory_space<vmem>>
        %dma_wait3A_88 = arith.constant 0 : i32
        %dma_wait3A_89 = arith.constant 0 : i32
        %dma_wait3A_90 = tpu.memref_slice %arg9[%dma_wait3A_88, %dma_wait3A_89] : memref<10112x128xf32, #tpu.memory_space<vmem_shared>> -> memref<10112x128xf32, #tpu.memory_space<vmem_shared>>
        tpu.wait_indirect_dma semaphore(%run_scoped3A_78 : memref<!tpu.dma_semaphore, #tpu.memory_space<semaphore_mem>>) src(%arg7 : memref<128x128xf32, #tpu.memory_space<vmem>>) dst(%dma_wait3A_90 : memref<10112x128xf32, #tpu.memory_space<vmem_shared>>)
        tpu.yield
      }) : () -> ()
      %add3A_62 = arith.constant 2 : i32
      %add3A_63 = arith.addi %mul3A_46, %add3A_62 : i32
      %lt3A_64 = arith.cmpi slt, %add3A_63, %sub3A_25 : i32
      %convert_element_type3A_65 = arith.extui %lt3A_64 : i1 to i32
      %cond3A_66 = arith.constant 0 : i32
      %cond3A_67 = arith.cmpi ne, %convert_element_type3A_65, %cond3A_66 : i32
      scf.if %cond3A_67 {
        %add3A_78 = arith.constant 2 : i32
        %add3A_79 = arith.addi %mul3A_46, %add3A_78 : i32
        %dma_start3A_80 = arith.constant 0 : i32
        %dma_start3A_81 = arith.constant 0 : i32
        %dma_start3A_82 = tpu.memref_slice %arg6[%add3A_79, %dma_start3A_80, %dma_start3A_81] : memref<40x2x128xi32, #tpu.memory_space<vmem>> -> memref<1x1x128xi32, #tpu.memory_space<vmem>>
        %dma_start3A_83 = tpu.memref_squeeze %dma_start3A_82 : memref<1x1x128xi32, #tpu.memory_space<vmem>> -> memref<128xi32, #tpu.memory_space<vmem>>
        %dma_start3A_84 = arith.constant 0 : i32
        %dma_start3A_85 = arith.constant 0 : i32
        %dma_start3A_86 = tpu.memref_slice %arg2[%dma_start3A_84, %dma_start3A_85] : memref<10000x128xf32, #tpu.memory_space<hbm>> -> memref<10000x128xf32, #tpu.memory_space<hbm>>
        tpu.enqueue_indirect_dma source(%dma_start3A_86 : memref<10000x128xf32, #tpu.memory_space<hbm>>) target(%arg7 : memref<128x128xf32, #tpu.memory_space<vmem>>) offsets(%dma_start3A_83 : memref<128xi32, #tpu.memory_space<vmem>>) semaphore(%arg10 : memref<!tpu.dma_semaphore, #tpu.memory_space<semaphore_mem>>)
      } else {
      }
      %add3A_68 = arith.constant 1 : i32
      %add3A_69 = arith.addi %mul3A_46, %add3A_68 : i32
      %dma_wait3A_70 = arith.constant 0 : i32
      %dma_wait3A_71 = arith.constant 0 : i32
      %dma_wait3A_72 = tpu.memref_slice %arg6[%add3A_69, %dma_wait3A_70, %dma_wait3A_71] : memref<40x2x128xi32, #tpu.memory_space<vmem>> -> memref<1x1x128xi32, #tpu.memory_space<vmem>>
      %dma_wait3A_73 = tpu.memref_squeeze %dma_wait3A_72 : memref<1x1x128xi32, #tpu.memory_space<vmem>> -> memref<128xi32, #tpu.memory_space<vmem>>
      %dma_wait3A_74 = arith.constant 0 : i32
      %dma_wait3A_75 = arith.constant 0 : i32
      %dma_wait3A_76 = tpu.memref_slice %arg2[%dma_wait3A_74, %dma_wait3A_75] : memref<10000x128xf32, #tpu.memory_space<hbm>> -> memref<10000x128xf32, #tpu.memory_space<hbm>>
      tpu.wait_indirect_dma semaphore(%arg11 : memref<!tpu.dma_semaphore, #tpu.memory_space<semaphore_mem>>) src(%dma_wait3A_76 : memref<10000x128xf32, #tpu.memory_space<hbm>>) dst(%arg8 : memref<128x128xf32, #tpu.memory_space<vmem>>)
      %run_scoped3A_77 = arith.constant 1 : i32
      "tpu.region"() ({
        %run_scoped3A_78 = tpu.sem_alloc : memref<!tpu.dma_semaphore, #tpu.memory_space<semaphore_mem>>
        %dma_start3A_79 = arith.constant 0 : i32
        %dma_start3A_80 = tpu.memref_slice %arg6[%add3A_69, %run_scoped3A_77, %dma_start3A_79] : memref<40x2x128xi32, #tpu.memory_space<vmem>> -> memref<1x1x128xi32, #tpu.memory_space<vmem>>
        %dma_start3A_81 = tpu.memref_squeeze %dma_start3A_80 : memref<1x1x128xi32, #tpu.memory_space<vmem>> -> memref<128xi32, #tpu.memory_space<vmem>>
        %dma_start3A_82 = arith.constant 0 : i32
        %dma_start3A_83 = arith.constant 0 : i32
        %dma_start3A_84 = tpu.memref_slice %arg9[%dma_start3A_82, %dma_start3A_83] : memref<10112x128xf32, #tpu.memory_space<vmem_shared>> -> memref<10112x128xf32, #tpu.memory_space<vmem_shared>>
        tpu.enqueue_indirect_dma source(%arg8 : memref<128x128xf32, #tpu.memory_space<vmem>>) target(%dma_start3A_84 : memref<10112x128xf32, #tpu.memory_space<vmem_shared>>) offsets(%dma_start3A_81 : memref<128xi32, #tpu.memory_space<vmem>>) semaphore(%run_scoped3A_78 : memref<!tpu.dma_semaphore, #tpu.memory_space<semaphore_mem>>) {add = true}
        %dma_wait3A_85 = arith.constant 0 : i32
        %dma_wait3A_86 = tpu.memref_slice %arg6[%add3A_69, %run_scoped3A_77, %dma_wait3A_85] : memref<40x2x128xi32, #tpu.memory_space<vmem>> -> memref<1x1x128xi32, #tpu.memory_space<vmem>>
        %dma_wait3A_87 = tpu.memref_squeeze %dma_wait3A_86 : memref<1x1x128xi32, #tpu.memory_space<vmem>> -> memref<128xi32, #tpu.memory_space<vmem>>
        %dma_wait3A_88 = arith.constant 0 : i32
        %dma_wait3A_89 = arith.constant 0 : i32
        %dma_wait3A_90 = tpu.memref_slice %arg9[%dma_wait3A_88, %dma_wait3A_89] : memref<10112x128xf32, #tpu.memory_space<vmem_shared>> -> memref<10112x128xf32, #tpu.memory_space<vmem_shared>>
        tpu.wait_indirect_dma semaphore(%run_scoped3A_78 : memref<!tpu.dma_semaphore, #tpu.memory_space<semaphore_mem>>) src(%arg8 : memref<128x128xf32, #tpu.memory_space<vmem>>) dst(%dma_wait3A_90 : memref<10112x128xf32, #tpu.memory_space<vmem_shared>>)
        tpu.yield
      }) : () -> ()
    }
    %scan3A_39 = arith.constant 19 : i32
    %lt3A_40 = arith.constant 4 : i32
    %lt3A_41 = arith.cmpi slt, %add3A, %lt3A_40 : i32
    %convert_element_type3A = arith.extui %lt3A_41 : i1 to i32
    %cond3A = arith.constant 0 : i32
    %cond3A_42 = arith.cmpi ne, %convert_element_type3A, %cond3A : i32
    scf.if %cond3A_42 {
      %dma_wait3A = arith.constant 38 : i32
      %dma_wait3A_44 = arith.constant 0 : i32
      %dma_wait3A_45 = arith.constant 0 : i32
      %dma_wait3A_46 = tpu.memref_slice %arg6[%dma_wait3A, %dma_wait3A_44, %dma_wait3A_45] : memref<40x2x128xi32, #tpu.memory_space<vmem>> -> memref<1x1x128xi32, #tpu.memory_space<vmem>>
      %dma_wait3A_47 = tpu.memref_squeeze %dma_wait3A_46 : memref<1x1x128xi32, #tpu.memory_space<vmem>> -> memref<128xi32, #tpu.memory_space<vmem>>
      %dma_wait3A_48 = arith.constant 0 : i32
      %dma_wait3A_49 = arith.constant 0 : i32
      %dma_wait3A_50 = tpu.memref_slice %arg2[%dma_wait3A_48, %dma_wait3A_49] : memref<10000x128xf32, #tpu.memory_space<hbm>> -> memref<10000x128xf32, #tpu.memory_space<hbm>>
      tpu.wait_indirect_dma semaphore(%arg10 : memref<!tpu.dma_semaphore, #tpu.memory_space<semaphore_mem>>) src(%dma_wait3A_50 : memref<10000x128xf32, #tpu.memory_space<hbm>>) dst(%arg7 : memref<128x128xf32, #tpu.memory_space<vmem>>)
      %run_scoped3A = arith.constant 38 : i32
      %run_scoped3A_51 = arith.constant 1 : i32
      "tpu.region"() ({
        %run_scoped3A_52 = tpu.sem_alloc : memref<!tpu.dma_semaphore, #tpu.memory_space<semaphore_mem>>
        %dma_start3A_53 = arith.constant 0 : i32
        %dma_start3A_54 = tpu.memref_slice %arg6[%run_scoped3A, %run_scoped3A_51, %dma_start3A_53] : memref<40x2x128xi32, #tpu.memory_space<vmem>> -> memref<1x1x128xi32, #tpu.memory_space<vmem>>
        %dma_start3A_55 = tpu.memref_squeeze %dma_start3A_54 : memref<1x1x128xi32, #tpu.memory_space<vmem>> -> memref<128xi32, #tpu.memory_space<vmem>>
        %dma_start3A_56 = arith.constant 0 : i32
        %dma_start3A_57 = arith.constant 0 : i32
        %dma_start3A_58 = tpu.memref_slice %arg9[%dma_start3A_56, %dma_start3A_57] : memref<10112x128xf32, #tpu.memory_space<vmem_shared>> -> memref<10112x128xf32, #tpu.memory_space<vmem_shared>>
        tpu.enqueue_indirect_dma source(%arg7 : memref<128x128xf32, #tpu.memory_space<vmem>>) target(%dma_start3A_58 : memref<10112x128xf32, #tpu.memory_space<vmem_shared>>) offsets(%dma_start3A_55 : memref<128xi32, #tpu.memory_space<vmem>>) semaphore(%run_scoped3A_52 : memref<!tpu.dma_semaphore, #tpu.memory_space<semaphore_mem>>) {add = true}
        %dma_wait3A_59 = arith.constant 0 : i32
        %dma_wait3A_60 = tpu.memref_slice %arg6[%run_scoped3A, %run_scoped3A_51, %dma_wait3A_59] : memref<40x2x128xi32, #tpu.memory_space<vmem>> -> memref<1x1x128xi32, #tpu.memory_space<vmem>>
        %dma_wait3A_61 = tpu.memref_squeeze %dma_wait3A_60 : memref<1x1x128xi32, #tpu.memory_space<vmem>> -> memref<128xi32, #tpu.memory_space<vmem>>
        %dma_wait3A_62 = arith.constant 0 : i32
        %dma_wait3A_63 = arith.constant 0 : i32
        %dma_wait3A_64 = tpu.memref_slice %arg9[%dma_wait3A_62, %dma_wait3A_63] : memref<10112x128xf32, #tpu.memory_space<vmem_shared>> -> memref<10112x128xf32, #tpu.memory_space<vmem_shared>>
        tpu.wait_indirect_dma semaphore(%run_scoped3A_52 : memref<!tpu.dma_semaphore, #tpu.memory_space<semaphore_mem>>) src(%arg7 : memref<128x128xf32, #tpu.memory_space<vmem>>) dst(%dma_wait3A_64 : memref<10112x128xf32, #tpu.memory_space<vmem_shared>>)
        tpu.yield
      }) : () -> ()
    } else {
    }
    %barrier3A_43 = arith.constant 0 : index
    tpu.barrier barrier_id(%barrier3A_43)
    "tpu.region"() ({
      %run_scoped3A = tpu.sem_alloc : memref<!tpu.dma_semaphore, #tpu.memory_space<semaphore_mem>>
      %dma_start3A_44 = arith.constant 0 : i32
      %dma_start3A_45 = tpu.memref_slice %arg5[%arg0, %mul3A_2, %dma_start3A_44] : memref<2x10112x128xf32, #tpu.memory_space<hbm>> -> memref<1x632x128xf32, #tpu.memory_space<hbm>>
      %dma_start3A_46 = tpu.memref_squeeze %dma_start3A_45 : memref<1x632x128xf32, #tpu.memory_space<hbm>> -> memref<632x128xf32, #tpu.memory_space<hbm>>
      %dma_start3A_47 = arith.constant 0 : i32
      %dma_start3A_48 = tpu.memref_slice %arg9[%mul3A_2, %dma_start3A_47] : memref<10112x128xf32, #tpu.memory_space<vmem_shared>> -> memref<632x128xf32, #tpu.memory_space<vmem_shared>>
      tpu.enqueue_dma source(%dma_start3A_48 : memref<632x128xf32, #tpu.memory_space<vmem_shared>>) target(%dma_start3A_46 : memref<632x128xf32, #tpu.memory_space<hbm>>) target_semaphore(%run_scoped3A : memref<!tpu.dma_semaphore, #tpu.memory_space<semaphore_mem>>)
      %dma_wait3A = arith.constant 0 : i32
      %dma_wait3A_49 = tpu.memref_slice %arg5[%arg0, %mul3A_2, %dma_wait3A] : memref<2x10112x128xf32, #tpu.memory_space<hbm>> -> memref<1x632x128xf32, #tpu.memory_space<hbm>>
      %dma_wait3A_50 = tpu.memref_squeeze %dma_wait3A_49 : memref<1x632x128xf32, #tpu.memory_space<hbm>> -> memref<632x128xf32, #tpu.memory_space<hbm>>
      %dma_wait3A_51 = arith.constant 0 : i32
      %dma_wait3A_52 = tpu.memref_slice %arg9[%mul3A_2, %dma_wait3A_51] : memref<10112x128xf32, #tpu.memory_space<vmem_shared>> -> memref<632x128xf32, #tpu.memory_space<vmem_shared>>
      tpu.wait_dma2 semaphore(%run_scoped3A : memref<!tpu.dma_semaphore, #tpu.memory_space<semaphore_mem>>) src(%dma_wait3A_52 : memref<632x128xf32, #tpu.memory_space<vmem_shared>>) dst(%dma_wait3A_50 : memref<632x128xf32, #tpu.memory_space<hbm>>)
      tpu.yield
    }) : () -> ()
    return
  }
}

module attributes {stable_mosaic.version = 14 : i64} {
  func.func @_tc1_body(%arg0: memref<10000x128xf32, #tpu.memory_space<vmem>>, %arg1: memref<128x128xf32, #tpu.memory_space<vmem>>, %arg2: memref<128x128xf32, #tpu.memory_space<vmem>>, %arg3: memref<1x128xf32, #tpu.memory_space<vmem>>, %arg4: memref<10000x128xf32, #tpu.memory_space<vmem>>, %arg5: memref<10000x128xf32, #tpu.memory_space<vmem>>) attributes {dimension_semantics = [], scalar_prefetch = 0 : i64, scratch_operands = 0 : i64, tpu.core_type = #tpu.core_type<tc>} {
    %get3A = arith.constant 0 : index
    %get3A_0 = arith.constant 0 : index
    %get3A_1 = vector.load %arg0[%get3A, %get3A_0] : memref<10000x128xf32, #tpu.memory_space<vmem>>, vector<10000x128xf32>
    %add3A = arith.constant 1.000000e+00 : f32
    %add3A_2 = vector.broadcast %add3A : f32 to vector<10000x128xf32>
    %add3A_3 = arith.addf %get3A_1, %add3A_2 : vector<10000x128xf32>
    %log3A = math.log %add3A_3 : vector<10000x128xf32>
    %get3A_4 = arith.constant 0 : index
    %get3A_5 = arith.constant 0 : index
    %get3A_6 = vector.load %arg1[%get3A_4, %get3A_5] : memref<128x128xf32, #tpu.memory_space<vmem>>, vector<128x128xf32>
    %dot_general3A = arith.constant dense<0.000000e+00> : vector<10000x128xf32>
    %dot_general3A_7 = tpu.matmul %log3A, %get3A_6, %dot_general3A {dimension_numbers = #tpu.dot_dimension_numbers<[1], [0], [0], [1], [0, 0, 1, 1], [], []>, transpose_lhs_hint = false} : vector<10000x128xf32>, vector<128x128xf32>, vector<10000x128xf32> -> vector<10000x128xf32>
    %swap3A = arith.constant 0 : index
    %swap3A_8 = arith.constant 0 : index
    %swap3A_9 = vector.load %arg4[%swap3A, %swap3A_8] : memref<10000x128xf32, #tpu.memory_space<vmem>>, vector<10000x128xf32>
    tpu.vector_store %arg4[%swap3A, %swap3A_8], %dot_general3A_7 {strides = array<i32>} : memref<10000x128xf32, #tpu.memory_space<vmem>>, vector<10000x128xf32>,
    %get3A_10 = arith.constant 0 : index
    %get3A_11 = arith.constant 0 : index
    %get3A_12 = vector.load %arg2[%get3A_10, %get3A_11] : memref<128x128xf32, #tpu.memory_space<vmem>>, vector<128x128xf32>
    %dot_general3A_13 = arith.constant dense<0.000000e+00> : vector<10000x128xf32>
    %dot_general3A_14 = tpu.matmul %log3A, %get3A_12, %dot_general3A_13 {dimension_numbers = #tpu.dot_dimension_numbers<[1], [0], [0], [1], [0, 0, 1, 1], [], []>, transpose_lhs_hint = false} : vector<10000x128xf32>, vector<128x128xf32>, vector<10000x128xf32> -> vector<10000x128xf32>
    %get3A_15 = arith.constant 0 : index
    %get3A_16 = arith.constant 0 : index
    %get3A_17 = vector.load %arg3[%get3A_15, %get3A_16] : memref<1x128xf32, #tpu.memory_space<vmem>>, vector<1x128xf32>
    %add3A_18 = vector.broadcast %get3A_17 : vector<1x128xf32> to vector<10000x128xf32>
    %add3A_19 = arith.addf %dot_general3A_14, %add3A_18 : vector<10000x128xf32>
    %swap3A_20 = arith.constant 0 : index
    %swap3A_21 = arith.constant 0 : index
    %swap3A_22 = vector.load %arg5[%swap3A_20, %swap3A_21] : memref<10000x128xf32, #tpu.memory_space<vmem>>, vector<10000x128xf32>
    tpu.vector_store %arg5[%swap3A_20, %swap3A_21], %add3A_19 {strides = array<i32>} : memref<10000x128xf32, #tpu.memory_space<vmem>>, vector<10000x128xf32>,
    return
  }
}

module attributes {stable_mosaic.version = 14 : i64} {
  func.func @_tcdeg_body(%arg0: i32, %arg1: memref<1x12800xi32, #tpu.memory_space<vmem>>, %arg2: memref<128x80xf32, #tpu.memory_space<vmem>>) attributes {dimension_semantics = [#tpu.dimension_semantics<arbitrary>], iteration_bounds = array<i64: 25>, scalar_prefetch = 0 : i64, scratch_operands = 0 : i64, tpu.core_type = #tpu.core_type<tc>, window_params = [{transform_indices = @transform_0, window_bounds = array<i64: 1, 12800>}, {pipeline_mode = #tpu.pipeline_mode<synchronous>, transform_indices = @transform_1, window_bounds = array<i64: 128, 80>}]} {
    %get3A = arith.constant 0 : index
    %get3A_0 = arith.constant 0 : index
    %get3A_1 = vector.load %arg1[%get3A, %get3A_0] : memref<1x12800xi32, #tpu.memory_space<vmem>>, vector<1x12800xi32>
    %iota3A = tpu.iota {dimensions = array<i32: 0>} : vector<128x12800xi32>
    %and3A = arith.constant 127 : i32
    %and3A_2 = vector.broadcast %and3A : i32 to vector<1x12800xi32>
    %and3A_3 = arith.andi %get3A_1, %and3A_2 : vector<1x12800xi32>
    %eq3A = vector.broadcast %and3A_3 : vector<1x12800xi32> to vector<128x12800xi32>
    %eq3A_4 = arith.cmpi eq, %iota3A, %eq3A : vector<128x12800xi32>
    %convert_element_type3A = arith.extui %eq3A_4 : vector<128x12800xi1> to vector<128x12800xi32>
    %convert_element_type3A_5 = arith.sitofp %convert_element_type3A : vector<128x12800xi32> to vector<128x12800xf32>
    %convert_element_type3A_6 = arith.truncf %convert_element_type3A_5 : vector<128x12800xf32> to vector<128x12800xbf16>
    %iota3A_7 = tpu.iota {dimensions = array<i32: 0>} : vector<80x12800xi32>
    %shift_right_logical3A = arith.constant 7 : i32
    %shift_right_logical3A_8 = vector.broadcast %shift_right_logical3A : i32 to vector<1x12800xi32>
    %shift_right_logical3A_9 = arith.shrui %get3A_1, %shift_right_logical3A_8 : vector<1x12800xi32>
    %eq3A_10 = vector.broadcast %shift_right_logical3A_9 : vector<1x12800xi32> to vector<80x12800xi32>
    %eq3A_11 = arith.cmpi eq, %iota3A_7, %eq3A_10 : vector<80x12800xi32>
    %convert_element_type3A_12 = arith.extui %eq3A_11 : vector<80x12800xi1> to vector<80x12800xi32>
    %convert_element_type3A_13 = arith.sitofp %convert_element_type3A_12 : vector<80x12800xi32> to vector<80x12800xf32>
    %convert_element_type3A_14 = arith.truncf %convert_element_type3A_13 : vector<80x12800xf32> to vector<80x12800xbf16>
    %dot_general3A = arith.constant dense<0.000000e+00> : vector<128x80xf32>
    %dot_general3A_15 = tpu.matmul %convert_element_type3A_6, %convert_element_type3A_14, %dot_general3A {dimension_numbers = #tpu.dot_dimension_numbers<[1], [1], [0], [0], [0, 0, 1, 0], [], []>, transpose_lhs_hint = false} : vector<128x12800xbf16>, vector<80x12800xbf16>, vector<128x80xf32> -> vector<128x80xf32>
    %eq3A_16 = arith.constant 0 : i32
    %eq3A_17 = arith.cmpi eq, %arg0, %eq3A_16 : i32
    %convert_element_type3A_18 = arith.extui %eq3A_17 : i1 to i32
    %cond3A = arith.constant 0 : i32
    %cond3A_19 = arith.cmpi ne, %convert_element_type3A_18, %cond3A : i32
    scf.if %cond3A_19 {
      %swap3A = arith.constant 0 : index
      %swap3A_24 = arith.constant 0 : index
      %swap3A_25 = vector.load %arg2[%swap3A, %swap3A_24] : memref<128x80xf32, #tpu.memory_space<vmem>>, vector<128x80xf32>
      tpu.vector_store %arg2[%swap3A, %swap3A_24], %dot_general3A_15 {strides = array<i32>} : memref<128x80xf32, #tpu.memory_space<vmem>>, vector<128x80xf32>,
    } else {
    }
    %gt3A = arith.constant 0 : i32
    %gt3A_20 = arith.cmpi sgt, %arg0, %gt3A : i32
    %convert_element_type3A_21 = arith.extui %gt3A_20 : i1 to i32
    %cond3A_22 = arith.constant 0 : i32
    %cond3A_23 = arith.cmpi ne, %convert_element_type3A_21, %cond3A_22 : i32
    scf.if %cond3A_23 {
      %get3A_24 = arith.constant 0 : index
      %get3A_25 = arith.constant 0 : index
      %get3A_26 = vector.load %arg2[%get3A_24, %get3A_25] : memref<128x80xf32, #tpu.memory_space<vmem>>, vector<128x80xf32>
      %add3A = arith.addf %get3A_26, %dot_general3A_15 : vector<128x80xf32>
      %swap3A = arith.constant 0 : index
      %swap3A_27 = arith.constant 0 : index
      %swap3A_28 = vector.load %arg2[%swap3A, %swap3A_27] : memref<128x80xf32, #tpu.memory_space<vmem>>, vector<128x80xf32>
      tpu.vector_store %arg2[%swap3A, %swap3A_27], %add3A {strides = array<i32>} : memref<128x80xf32, #tpu.memory_space<vmem>>, vector<128x80xf32>,
    } else {
    }
    return
  }
  func.func @transform_0(%arg0: i32) -> (i32, i32) {
    %c0_i32 = arith.constant 0 : i32
    %c0_i32_0 = arith.constant 0 : i32
    return %c0_i32, %arg0 : i32, i32
  }
  func.func @transform_1(%arg0: i32) -> (i32, i32) {
    %c0_i32 = arith.constant 0 : i32
    %c0_i32_0 = arith.constant 0 : i32
    %c0_i32_1 = arith.constant 0 : i32
    return %c0_i32, %c0_i32_0 : i32, i32
  }
}

module attributes {stable_mosaic.version = 14 : i64} {
  func.func @_tc2_body(%arg0: memref<10000x128xf32, #tpu.memory_space<vmem>>, %arg1: memref<2x10112x128xf32, #tpu.memory_space<vmem>>, %arg2: memref<10000x1xf32, #tpu.memory_space<vmem>>, %arg3: memref<128x128xf32, #tpu.memory_space<vmem>>, %arg4: memref<128x128xf32, #tpu.memory_space<vmem>>, %arg5: memref<1x128xf32, #tpu.memory_space<vmem>>, %arg6: memref<10000x128xf32, #tpu.memory_space<vmem>>, %arg7: memref<10000x128xf32, #tpu.memory_space<vmem>>) attributes {dimension_semantics = [], scalar_prefetch = 0 : i64, scratch_operands = 0 : i64, tpu.core_type = #tpu.core_type<tc>} {
    %get3A = arith.constant 0 : index
    %get3A_0 = arith.constant 0 : index
    %get3A_1 = vector.load %arg2[%get3A, %get3A_0] : memref<10000x1xf32, #tpu.memory_space<vmem>>, vector<10000x1xf32>
    %max3A = arith.constant 1.000000e+00 : f32
    %max3A_2 = vector.broadcast %max3A : f32 to vector<10000x1xf32>
    %max3A_3 = arith.maximumf %get3A_1, %max3A_2 : vector<10000x1xf32>
    %get3A_4 = arith.constant 0 : index
    %get3A_5 = arith.constant 0 : index
    %get3A_6 = vector.load %arg0[%get3A_4, %get3A_5] : memref<10000x128xf32, #tpu.memory_space<vmem>>, vector<10000x128xf32>
    %get3A_7 = arith.constant 0 : index
    %get3A_8 = arith.constant 0 : index
    %get3A_9 = arith.constant 0 : index
    %get3A_10 = vector.load %arg1[%get3A_7, %get3A_8, %get3A_9] : memref<2x10112x128xf32, #tpu.memory_space<vmem>>, vector<1x10000x128xf32>
    %get3A_11 = vector.shape_cast %get3A_10 : vector<1x10000x128xf32> to vector<10000x128xf32>
    %get3A_12 = arith.constant 1 : index
    %get3A_13 = arith.constant 0 : index
    %get3A_14 = arith.constant 0 : index
    %get3A_15 = vector.load %arg1[%get3A_12, %get3A_13, %get3A_14] : memref<2x10112x128xf32, #tpu.memory_space<vmem>>, vector<1x10000x128xf32>
    %get3A_16 = vector.shape_cast %get3A_15 : vector<1x10000x128xf32> to vector<10000x128xf32>
    %add3A = arith.addf %get3A_11, %get3A_16 : vector<10000x128xf32>
    %div3A = vector.broadcast %max3A_3 : vector<10000x1xf32> to vector<10000x128xf32>
    %div3A_17 = arith.divf %add3A, %div3A : vector<10000x128xf32>
    %add3A_18 = arith.addf %get3A_6, %div3A_17 : vector<10000x128xf32>
    %max3A_19 = arith.constant 0.000000e+00 : f32
    %max3A_20 = vector.broadcast %max3A_19 : f32 to vector<10000x128xf32>
    %max3A_21 = arith.maximumf %add3A_18, %max3A_20 : vector<10000x128xf32>
    %mul3A = arith.mulf %max3A_21, %max3A_21 : vector<10000x128xf32>
    %reduce_sum3A = arith.constant dense<0.000000e+00> : vector<10000xf32>
    %reduce_sum3A_22 = vector.multi_reduction <add>, %mul3A, %reduce_sum3A [1] : vector<10000x128xf32> to vector<10000xf32>
    %broadcast_in_dim3A = vector.shape_cast %reduce_sum3A_22 : vector<10000xf32> to vector<10000x1xf32>
    %sqrt3A = math.sqrt %broadcast_in_dim3A : vector<10000x1xf32>
    %max3A_23 = arith.constant 9.99999996E-13 : f32
    %max3A_24 = vector.broadcast %max3A_23 : f32 to vector<10000x1xf32>
    %max3A_25 = arith.maximumf %sqrt3A, %max3A_24 : vector<10000x1xf32>
    %div3A_26 = vector.broadcast %max3A_25 : vector<10000x1xf32> to vector<10000x128xf32>
    %div3A_27 = arith.divf %max3A_21, %div3A_26 : vector<10000x128xf32>
    %get3A_28 = arith.constant 0 : index
    %get3A_29 = arith.constant 0 : index
    %get3A_30 = vector.load %arg3[%get3A_28, %get3A_29] : memref<128x128xf32, #tpu.memory_space<vmem>>, vector<128x128xf32>
    %dot_general3A = arith.constant dense<0.000000e+00> : vector<10000x128xf32>
    %dot_general3A_31 = tpu.matmul %div3A_27, %get3A_30, %dot_general3A {dimension_numbers = #tpu.dot_dimension_numbers<[1], [0], [0], [1], [0, 0, 1, 1], [], []>, transpose_lhs_hint = false} : vector<10000x128xf32>, vector<128x128xf32>, vector<10000x128xf32> -> vector<10000x128xf32>
    %swap3A = arith.constant 0 : index
    %swap3A_32 = arith.constant 0 : index
    %swap3A_33 = vector.load %arg6[%swap3A, %swap3A_32] : memref<10000x128xf32, #tpu.memory_space<vmem>>, vector<10000x128xf32>
    tpu.vector_store %arg6[%swap3A, %swap3A_32], %dot_general3A_31 {strides = array<i32>} : memref<10000x128xf32, #tpu.memory_space<vmem>>, vector<10000x128xf32>,
    %get3A_34 = arith.constant 0 : index
    %get3A_35 = arith.constant 0 : index
    %get3A_36 = vector.load %arg4[%get3A_34, %get3A_35] : memref<128x128xf32, #tpu.memory_space<vmem>>, vector<128x128xf32>
    %dot_general3A_37 = arith.constant dense<0.000000e+00> : vector<10000x128xf32>
    %dot_general3A_38 = tpu.matmul %div3A_27, %get3A_36, %dot_general3A_37 {dimension_numbers = #tpu.dot_dimension_numbers<[1], [0], [0], [1], [0, 0, 1, 1], [], []>, transpose_lhs_hint = false} : vector<10000x128xf32>, vector<128x128xf32>, vector<10000x128xf32> -> vector<10000x128xf32>
    %get3A_39 = arith.constant 0 : index
    %get3A_40 = arith.constant 0 : index
    %get3A_41 = vector.load %arg5[%get3A_39, %get3A_40] : memref<1x128xf32, #tpu.memory_space<vmem>>, vector<1x128xf32>
    %add3A_42 = vector.broadcast %get3A_41 : vector<1x128xf32> to vector<10000x128xf32>
    %add3A_43 = arith.addf %dot_general3A_38, %add3A_42 : vector<10000x128xf32>
    %swap3A_44 = arith.constant 0 : index
    %swap3A_45 = arith.constant 0 : index
    %swap3A_46 = vector.load %arg7[%swap3A_44, %swap3A_45] : memref<10000x128xf32, #tpu.memory_space<vmem>>, vector<10000x128xf32>
    tpu.vector_store %arg7[%swap3A_44, %swap3A_45], %add3A_43 {strides = array<i32>} : memref<10000x128xf32, #tpu.memory_space<vmem>>, vector<10000x128xf32>,
    return
  }
}

module attributes {stable_mosaic.version = 14 : i64} {
  func.func @_tc3_body(%arg0: memref<10000x128xf32, #tpu.memory_space<vmem>>, %arg1: memref<2x10112x128xf32, #tpu.memory_space<vmem>>, %arg2: memref<10000x1xf32, #tpu.memory_space<vmem>>, %arg3: memref<10000x128xf32, #tpu.memory_space<vmem>>) attributes {dimension_semantics = [], scalar_prefetch = 0 : i64, scratch_operands = 0 : i64, tpu.core_type = #tpu.core_type<tc>} {
    %get3A = arith.constant 0 : index
    %get3A_0 = arith.constant 0 : index
    %get3A_1 = vector.load %arg2[%get3A, %get3A_0] : memref<10000x1xf32, #tpu.memory_space<vmem>>, vector<10000x1xf32>
    %max3A = arith.constant 1.000000e+00 : f32
    %max3A_2 = vector.broadcast %max3A : f32 to vector<10000x1xf32>
    %max3A_3 = arith.maximumf %get3A_1, %max3A_2 : vector<10000x1xf32>
    %get3A_4 = arith.constant 0 : index
    %get3A_5 = arith.constant 0 : index
    %get3A_6 = vector.load %arg0[%get3A_4, %get3A_5] : memref<10000x128xf32, #tpu.memory_space<vmem>>, vector<10000x128xf32>
    %get3A_7 = arith.constant 0 : index
    %get3A_8 = arith.constant 0 : index
    %get3A_9 = arith.constant 0 : index
    %get3A_10 = vector.load %arg1[%get3A_7, %get3A_8, %get3A_9] : memref<2x10112x128xf32, #tpu.memory_space<vmem>>, vector<1x10000x128xf32>
    %get3A_11 = vector.shape_cast %get3A_10 : vector<1x10000x128xf32> to vector<10000x128xf32>
    %get3A_12 = arith.constant 1 : index
    %get3A_13 = arith.constant 0 : index
    %get3A_14 = arith.constant 0 : index
    %get3A_15 = vector.load %arg1[%get3A_12, %get3A_13, %get3A_14] : memref<2x10112x128xf32, #tpu.memory_space<vmem>>, vector<1x10000x128xf32>
    %get3A_16 = vector.shape_cast %get3A_15 : vector<1x10000x128xf32> to vector<10000x128xf32>
    %add3A = arith.addf %get3A_11, %get3A_16 : vector<10000x128xf32>
    %div3A = vector.broadcast %max3A_3 : vector<10000x1xf32> to vector<10000x128xf32>
    %div3A_17 = arith.divf %add3A, %div3A : vector<10000x128xf32>
    %add3A_18 = arith.addf %get3A_6, %div3A_17 : vector<10000x128xf32>
    %swap3A = arith.constant 0 : index
    %swap3A_19 = arith.constant 0 : index
    %swap3A_20 = vector.load %arg3[%swap3A, %swap3A_19] : memref<10000x128xf32, #tpu.memory_space<vmem>>, vector<10000x128xf32>
    tpu.vector_store %arg3[%swap3A, %swap3A_19], %add3A_18 {strides = array<i32>} : memref<10000x128xf32, #tpu.memory_space<vmem>>, vector<10000x128xf32>,
    return
  }
}

</mosaic_0001>

<sc_bundles>
// kernel: kernel.11.cloned.1.call-start
scs
__scs_entry_jumppad:
0x0: {  	(pc) =	sbr.rel $0x88, $3  }
0x1: {  	(tag) =	ssettag $0x0;
	lr =	simm.s32 $0x1  }
0x2: {  	[smem:$0x3F99] =	sst lr;
	_ =	strace $0xD0000000  }
0x3: {  	_ = 	snop  }
0x4: {  	_ = 	snop  }
0x5: {  	_ = 	snop  }
0x6: {  	_ = 	snop  }
0x7: {  	_ = 	snop  }
__scs_overlays_trampoline_lowered:
0x8: {  	[smem:$0x3FA8] =	sst s0  }
0x9: {  	[smem:$0x3FA9] =	sst s1  }
0xa: {  	[smem:$0x3FAA] =	sst s2  }
0xb: {  	[smem:$0x3FAB] =	sst s3  }
0xc: {  	[smem:$0x3FAC] =	sst s4  }
0xd: {  	[smem:$0x3FAD] =	sst s5  }
0xe: {  	[smem:$0x3FAE] =	sst s6  }
0xf: {  	[smem:$0x3FAF] =	sst s7  }
0x10: {  	[smem:$0x3FB0] =	sst s8  }
0x11: {  	[smem:$0x3FB1] =	sst s9;
	s0 =	simm.s32 @!p0 $0x0  }
0x12: {  	s1 =	sld [smem:$0x3F97];
	s0 =	simm.s32 @p0 $0x1  }
0x13: {  	[smem:$0x3FB2] =	sst s0;
	s0 =	simm.s32 @!p1 $0x0  }
0x14: {  	s2 =	sld [smem:$0x3F96];
	s0 =	simm.s32 @p1 $0x1  }
0x15: {  	[smem:$0x3FB3] =	sst s0;
	s0 =	simm.s32 @!p2 $0x0  }
0x16: {  	s3 =	sld [smem:$0x3FDB];
	s0 =	simm.s32 @p2 $0x1  }
0x17: {  	s4 =	simm.s32 $0x1BF5;
	[smem:$0x3FB5] =	sst s0  }
0x18: {  	s0 =	sld [smem:$0x3F98];
	_ =	swait.ge [sflag:s4], $0x0  }
0x19: {  	s7 =	sld [smem:$0x3F99]  }
0x1a: {  	s8 =	sadd.s32 $0xFFFFE003, lr  }
0x1b: {  	s9 =	sadd.s32 $0xFFFFFEF7, lr;
	s5 =	simm.s32 $0xFFFFFFFF;
	p2 =	slt.u32 s8, $0xFFFFF086  }
0x1c: {  	p1 =	slt.u32 s9, $0xF7A;
	s5 =	simm.s32 @!p2 $0x0  }
0x1d: {  	s5 =	simm.s32 @p1 $0x1;
	p0 =	seq.s32 s7, s2  }
0x1e: {  	s7 =	smul.u32 @!p0 $0xF7A, s2;
	p2 =	seq.s32 @!p0 s5, $0x0  }
0x1f: {  	s9 =	smul.u32 $0xF7A, s1;
	s8 =	simm.s32 @!p0 $0x1BF5;
	p2 =	por !p2, p0  }
0x20: {  	[sflag:s8] =	ssyncset.s32 @!p0 $0xFFFFF086;
	s6 =	sadd.s32 @!p0 s3, s7;
	s7 =	simm.s32 @!p0 $0x108  }
0x21: {  	s3 =	sadd.s32 s3, s9;
	s6 =	sadd.s32 @!p0 $0x88, s6;
	s7 =	simm.s32 @p2 $0x1082  }
0x22: {  	[simem:s7], [sflag:s8] =	dma.local @!p0 [hbm:s6], $0xF7A  }
0x23: {  	s9 =	sor.u32 $0xD0000000, s2;
	s6 =	simm.s32 $0x108;
	_ =	swait.ge @!p0 [sflag:s8], $0x0  }
0x24: {  	s3 =	sadd.s32 $0x88, s3;
	s6 =	simm.s32 @!p1 $0x1082;
	[sflag:s4] =	ssyncset.s32 $0xFFFFF086  }
0x25: {  	[simem:s6], [sflag:s4] =	dma.local [hbm:s3], $0xF7A  }
0x26: {  	[smem:$0x3F99] =	sst s1;
	(tag) =	ssettag s2;
	_ =	strace s9  }
0x27: {  	s1 =	sld [smem:$0x3FA9]  }
0x28: {  	s2 =	sld [smem:$0x3FAA]  }
0x29: {  	s4 =	sld [smem:$0x3FAC]  }
0x2a: {  	p0 =	seq.s32 s5, $0x0;
	s5 =	sld [smem:$0x3FAD]  }
0x2b: {  	s6 =	sld [smem:$0x3FAE]  }
0x2c: {  	s7 =	sld [smem:$0x3FAF]  }
0x2d: {  	s3 =	simm.s32 $0x108;
	s8 =	sld [smem:$0x3FB0]  }
0x2e: {  	s3 =	simm.s32 @!p0 $0x1082;
	s9 =	sld [smem:$0x3FB1]  }
0x2f: {  	lr =	sadd.s32 s0, s3;
	s0 =	sld [smem:$0x3FA8]  }
0x30: {  	s3 =	sld [smem:$0x3FAB]  }
0x31: {  	[smem:$0x3FB4] =	sst s10  }
0x32: {  	s10 =	sld [smem:$0x3FB2];
	_ =	sdelay $0x3  }
0x33: {  	p0 =	seq.s32 s10, $0x1;
	s10 =	sld [smem:$0x3FB4];
	_ =	sdelay $0x3  }
0x34: {  	[smem:$0x3FB4] =	sst s10  }
0x35: {  	s10 =	sld [smem:$0x3FB3];
	_ =	sdelay $0x3  }
0x36: {  	p1 =	seq.s32 s10, $0x1;
	s10 =	sld [smem:$0x3FB4];
	_ =	sdelay $0x3  }
0x37: {  	[smem:$0x3FB4] =	sst s10  }
0x38: {  	s10 =	sld [smem:$0x3FB5]  }
0x39: {  	_ = 	snop;
	(pc) =	sbr.ind lr, $3  }
0x3a: {  	_ = 	snop  }
0x3b: {  	_ = 	snop  }
0x3c: {  	p2 =	seq.s32 s10, $0x1;
	s10 =	sld [smem:$0x3FB4]  }
0x3d: {  	_ =	shalt  }
0x3e: {  	_ =	shalt  }
0x3f: {  	_ =	shalt  }
0x40: {  	_ =	shalt  }
0x41: {  	_ =	shalt  }
0x42: {  	_ =	shalt  }
0x43: {  	_ =	shalt  }
0x44: {  	_ =	shalt  }
0x45: {  	_ =	shalt  }
0x46: {  	_ =	shalt  }
0x47: {  	_ =	shalt  }
0x48: {  	_ =	shalt  }
0x49: {  	_ =	shalt  }
0x4a: {  	_ =	shalt  }
0x4b: {  	_ =	shalt  }
0x4c: {  	_ =	shalt  }
0x4d: {  	_ =	shalt  }
0x4e: {  	_ =	shalt  }
0x4f: {  	_ =	shalt  }
0x50: {  	_ =	shalt  }
0x51: {  	_ =	shalt  }
0x52: {  	_ =	shalt  }
0x53: {  	_ =	shalt  }
0x54: {  	_ =	shalt  }
0x55: {  	_ =	shalt  }
0x56: {  	_ =	shalt  }
0x57: {  	_ =	shalt  }
0x58: {  	_ =	shalt  }
0x59: {  	_ =	shalt  }
0x5a: {  	_ =	shalt  }
0x5b: {  	_ =	shalt  }
0x5c: {  	_ =	shalt  }
0x5d: {  	_ =	shalt  }
0x5e: {  	_ =	shalt  }
0x5f: {  	_ =	shalt  }
0x60: {  	_ =	shalt  }
0x61: {  	_ =	shalt  }
0x62: {  	_ =	shalt  }
0x63: {  	_ =	shalt  }
0x64: {  	_ =	shalt  }
0x65: {  	_ =	shalt  }
0x66: {  	_ =	shalt  }
0x67: {  	_ =	shalt  }
0x68: {  	_ =	shalt  }
0x69: {  	_ =	shalt  }
0x6a: {  	_ =	shalt  }
0x6b: {  	_ =	shalt  }
0x6c: {  	_ =	shalt  }
0x6d: {  	_ =	shalt  }
0x6e: {  	_ =	shalt  }
0x6f: {  	_ =	shalt  }
0x70: {  	_ =	shalt  }
0x71: {  	_ =	shalt  }
0x72: {  	_ =	shalt  }
0x73: {  	_ =	shalt  }
0x74: {  	_ =	shalt  }
0x75: {  	_ =	shalt  }
0x76: {  	_ =	shalt  }
0x77: {  	_ =	shalt  }
0x78: {  	_ =	shalt  }
0x79: {  	_ =	shalt  }
0x7a: {  	_ =	shalt  }
0x7b: {  	_ =	shalt  }
0x7c: {  	_ =	shalt  }
0x7d: {  	_ =	shalt  }
0x7e: {  	_ =	shalt  }
0x7f: {  	_ =	shalt  }
0x80: {  	_ =	shalt  }
0x81: {  	_ =	shalt  }
0x82: {  	_ =	shalt  }
0x83: {  	_ =	shalt  }
0x84: {  	_ =	shalt  }
0x85: {  	_ =	shalt  }
0x86: {  	_ =	shalt  }
0x87: {  	_ =	shalt  }
.Lfunc_end0:
.L_simem_size_0:
called_computation.1_lowered:
.L_overlay_start_0:
0x88: {  	s2 =	sld [smem:$0x3FD9]  }
0x89: {  	s3 =	sld [smem:$0x3FFE];
	_ =	sdelay $0x1  }
0x8a: {  	s1 =	srdreg.scid  }
0x8b: {  	s0 =	sand.u32 $0x1, s1  }
0x8c: {  	s17 =	sshll.u32 s0, $0xA;
	s2 =	sadd.s32 s3, s2  }
0x8d: {  	s2 =	sadd.s32 s2, s17  }
0x8e: {  	[smem:$0x3FC0] =	sst s2  }
0x8f: {  	_ = 	snop  }
0x90: {  	s2 =	sld [smem:$0x3FD0];
	(tm) =	ssettm $0x1  }
0x91: {  	s18 =	sld [smem:$0x3FFB];
	_ =	sdelay $0x3  }
0x92: {  	_ =	strace s18  }
0x93: {  	s3 =	sld [smem:$0x3FFC];
	_ =	sdelay $0x3  }
0x94: {  	_ =	strace s3  }
0x95: {  	s3 =	sld [smem:$0x3FFD];
	_ =	sdelay $0x3  }
0x96: {  	_ =	strace s3  }
0x97: {  	_ =	strace $0x8FFFFFFF  }
0x98: {  	s19 =	sld [smem:$0x3FDB];
	_ =	sdelay $0x1  }
0x99: {  	s4 =	simm.s32 $_scs_section_size  }
0x9a: {  	s5 =	simm.s32 $_size__tile_overlayer_lowered;
	s6 =	simm.s32 $_tile_overlayer_lowered  }
0x9b: {  	s22 =	simm.s32 $0x1BFF;
	s21 =	sshll.u32 s6, $0x1;
	s3 =	sadd.s32 s4, s19  }
0x9c: {  	s7 =	simm.s32 $0x0;
	s20 =	sshll.u32 s5, $0x1;
	s5 =	sadd.s32 s21, s3  }
0x9d: {  	[timem:s7], [sflag:s22] =	dma.local [hbm:s5], s20  }
0x9e: {  	_ =	swait.ge [sflag:s22], s20  }
0x9f: {  	s4 =	ssub.s32 $0x0, s20;
	[sflag:s22] =	ssyncset.done $0x0  }
0xa0: {  	[sflag:s22] =	ssyncadd.s32 s4;
	_ =	sdelay $0x1  }
0xa1: {  	s23 =	simm.s32 $0x1B8B  }
0xa2: {  	_ =	swait.ge [sflag:s23], $0x1  }
0xa3: {  	[sflag:s23] =	ssyncset.done $0x0  }
0xa4: {  	s25 =	simm.s32 $0x1B8E;
	s24 =	sld [smem:$0x3FFE];
	[sflag:s23] =	ssyncadd.s32 $0xFFFFFFFF  }
0xa5: {  	s26 =	simm.s32 $execute0_lowered;
	[smem:$0x3FD2] =	sst s25  }
0xa6: {  	s5 =	sshll.u32 s26, $0x1;
	_ =	strace $0x80000049;
	[dreg:$0x1] =	wrdreg $0xFFFFFFFF  }
0xa7: {  	s28 =	simm.s32 $_size_execute0_lowered;
	s3 =	sadd.s32 s3, s5;
	[dreg:$0x0] =	wrdreg $0x0  }
0xa8: {  	s5 =	sshll.u32 s28, $0x1;
	[dreg:$0x2] =	wrdreg s3  }
0xa9: {  	[dreg:$0x3] =	wrdreg s5  }
0xaa: {  	[dreg:$0x4] =	wrdreg $0xC0  }
0xab: {  	_ =	task [dreg:s7], $0x5FFFF  }
0xac: {  	[dreg:$0x1] =	wrdreg $0xFFFFFFFF  }
0xad: {  	[dreg:$0x0] =	wrdreg $0x60  }
0xae: {  	[dreg:$0x2] =	wrdreg s2  }
0xaf: {  	[dreg:$0x3] =	wrdreg s24  }
0xb0: {  	[dreg:$0x4] =	wrdreg $0xA8000  }
0xb1: {  	[dreg:$0x5] =	wrdreg $0x9  }
0xb2: {  	_ =	task.clear_ibuf [dreg:s7], $0x6FFFF;
	_ =	strace $0x90000049  }
0xb3: {  	s29 =	simm.s32 $0x9;
	_ =	strace $0x8000004B  }
0xb4: {  	_ =	swait.ge [sflag:s29], $0x1  }
0xb5: {  	[sflag:s29] =	ssyncadd.s32 $0xFFFFFFFF  }
0xb6: {  	_ =	strace $0x9000004B  }
0xb7: {  	_ =	sfence  }
0xb8: {  	s30 =	sld [smem:$0x0];
	_ =	sdelay $0x2  }
0xb9: {  	s31 =	sshll.u32 s1, $0xD;
	s1 =	sshrl.u32 s1, $0x2  }
0xba: {  	s3 =	sand.u32 $0x4000, s31;
	s1 =	sadd.s32 s1, s30  }
0xbb: {  	s0 =	sor.u32 s3, s0;
	s1 =	sshll.u32 s1, $0x11  }
0xbc: {  	s0 =	sor.u32 s1, s0  }
0xbd: {  	s0 =	sadd.s32 $0x8F2B, s0  }
0xbe: {  	[sflag:s0] =	ssyncadd.remote.s32 $0x1  }
0xbf: {  	_ =	sfence.sel $0xFFFF  }
0xc0: {  	[dreg:$0x0] =	wrdreg $0xFFFFFFFF;
	(pc) =	sbr.abs _section_cstart, $3  }
0xc1: {  	[dreg:$0x1] =	wrdreg $0xFFFFFFFF  }
0xc2: {  	_ =	task.clear_ibuf [dreg:s7], $0x2FFFF;
	_ =	strace $0x9FFFFFFF  }
0xc3: {  	(tm) =	ssettm $0x7FFFFFFF  }
tec
execute0_lowered:
.L_overlay_start_1:
0x0: {  	(tag) =	ssettag $0x1  }
0x1: {  	s2 =	srdreg.scid;
	s1 =	rddreg [dreg:$0x0]  }
0x2: {  	s0 =	stileid.u32;
	s6 =	rddreg [dreg:$0x1]  }
0x3: {  	s3 =	rddreg [dreg:$0x2];
	s14 =	simm.s32 $0x80;
	s15 =	simm.s32 $0x2800  }
0x4: {  	s16 =	simm.s32 $0x6800;
	s17 =	simm.s32 $0x1;
	s18 =	simm.s32 $0x2  }
0x5: {  	s19 =	simm.s32 $0x2700;
	s20 =	simm.s32 $0x2680;
	s21 =	simm.s32 $0x2780  }
0x6: {  	s22 =	simm.s32 $0x0;
	s5 =	sand.u32 $0x1, s2;
	s25 =	smul.u32 $0x13C00, s0  }
0x7: {  	s24 =	sshll.u32 s0, $0x1;
	s2 =	rddreg [dreg:$0x3];
	s28 =	smul.u32 $0x4F000, s0  }
0x8: {  	s31 =	sshll.u32 s0, $0x6;
	s4 =	sor.u32 s5, s24;
	s9 =	smul.u32 $0x13C000, s5  }
0x9: {  	p0 =	slt.u32 s0, $0x2;
	s5 =	ssub.s32 $0x2, s5;
	s7 =	smul.u32 $0x4E, s4  }
0xa: {  	s8 =	smin.u32 s4, $0x4;
	s4 =	simm.s32 $0x0;
	s26 =	sshrl.u32 s25, $0x3  }
0xb: {  	s29 =	sshrl.u32 s5, $0x1;
	s30 =	sshrl.u32 s28, $0x2;
	[smem:$0x7FF] =	sst s4  }
0xc: {  	s12 =	ssub.s32 s5, s29;
	s13 =	sadd.s32 s30, s3;
	s7 =	sadd.s32 s8, s7  }
0xd: {  	_ =	strace $0x8000004A;
	s8 =	sadd.s32 s25, s9;
	s9 =	simm.s32 $0x27  }
0xe: {  	s7 =	sshll.u32 s7, $0x5;
	s8 =	sshrl.u32 s8, $0x3;
	s9 =	simm.s32 @!p0 $0x26  }
0xf: {  	p0 =	sgt.u32 s0, $0x1;
	s10 =	sadd.s32 s7, s6;
	s7 =	sadd.s32 s26, s6  }
0x10: {  	s11 =	sadd.s32 s8, s6;
	s6 =	sor.u32 $0x1C03, s31;
	s5 =	sadd.s32 $0x16600, s7  }
0x11: {  	s7 =	sadd.s32 $0x2200, s10;
	s8 =	sadd.s32 $0x2700, s10;
	s10 =	sadd.s32 $0x3DE00, s11  }
0x12: {  	s11 =	smax.u32 s12, $0x1;
	s12 =	sshrl.u32 s13, $0x3;
	s13 =	simm.s32 $0x3  }
.LBB2_1:
0x13: {  	[spmem:s12], [sflag:s6] =	dma.local [hbm:s5], $0x2780  }
0x14: {  	_ =	swait.ge [sflag:s13], $0x2780  }
0x15: {  	[sflag:s13] =	ssyncset.done $0x0  }
0x16: {  	[sflag:s13] =	ssyncadd.s32 $0xFFFFD880  }
0x17: {  	[tilespmem:s4], [sflag:$0x3] =	stream.linear.gather [hbm4b:s7+s4], $0x2800, $0x38;
	[tilespmem:$0x1E400] =	vst v63  }
0x18: {  	_ =	swait.ge [sflag:s13], $0x2800  }
0x19: {  	[sflag:s13] =	ssyncset.done $0x0  }
0x1a: {  	[sflag:s13] =	ssyncadd.s32 $0xFFFFD800  }
0x1b: {  	[bflag:$0x0] =	sbarrier.arrive $0xFFFF  }
0x1c: {  	[tilespmem:s15], [sflag:$0x1] =	stream.indirect.gather [hbm4b:s1+s14], $0x80, s4, s14, $0xb8;
	[tilespmem:$0x1E400] =	vst v63  }
0x1d: {  	s23 =	simm.s32 $0x100  }
0x1e: {  	[tilespmem:s16], [sflag:$0x2] =	stream.indirect.gather [hbm4b:s1+s14], $0x80, s23, s14, $0xb8;
	[tilespmem:$0x1E400] =	vst v63  }
0x1f: {  	_ =	swait.ge [sflag:s17], $0x4000  }
0x20: {  	[sflag:s17] =	ssyncset.done $0x0  }
0x21: {  	s29 =	simm.s32 $0x80;
	[sflag:s17] =	ssyncadd.s32 $0xFFFFC000  }
0x22: {  	[spmem:s3] =	stream.indirect.scatter.add.f32 [tilespmem:s15], [sflag:$0x3], $0x80, s29, s14, $0xb8;
	[tilespmem:$0x1E400] =	vst v63  }
0x23: {  	_ =	swait.ge [sflag:s13], $0x4000  }
0x24: {  	[sflag:s13] =	ssyncset.done $0x0  }
0x25: {  	s30 =	simm.s32 $0x200;
	[sflag:s13] =	ssyncadd.s32 $0xFFFFC000  }
0x26: {  	[tilespmem:s15], [sflag:$0x1] =	stream.indirect.gather [hbm4b:s1+s14], $0x80, s30, s14, $0xb8;
	[tilespmem:$0x1E400] =	vst v63  }
0x27: {  	_ =	swait.ge [sflag:s18], $0x4000  }
0x28: {  	[sflag:s18] =	ssyncset.done $0x0  }
0x29: {  	s31 =	simm.s32 $0x180;
	[sflag:s18] =	ssyncadd.s32 $0xFFFFC000  }
0x2a: {  	[spmem:s3] =	stream.indirect.scatter.add.f32 [tilespmem:s16], [sflag:$0x3], $0x80, s31, s14, $0xb8;
	[tilespmem:$0x1E400] =	vst v63  }
0x2b: {  	_ =	swait.ge [sflag:s13], $0x4000  }
0x2c: {  	s24 =	simm.s32 $0xFFFF7800;
	s23 =	simm.s32 $0xFFFFDC00;
	[sflag:s13] =	ssyncset.done $0x0  }
.LBB2_2:
0x2d: {  	s25 =	sadd.s32 $0x2700, s23  }
0x2e: {  	[sflag:s13] =	ssyncadd.s32 $0xFFFFC000;
	s26 =	smov.u32 s24;
	s28 =	sadd.s32 $0x800, s24  }
0x2f: {  	[tilespmem:s16], [sflag:$0x2] =	stream.indirect.gather [hbm4b:s1+s14], $0x80, s25, s14, $0xb8;
	[tilespmem:$0x1E400] =	vst v63  }
0x30: {  	p1 =	sne.s32 s24, $0xFFFFF800;
	_ =	swait.ge [sflag:s17], $0x4000  }
0x31: {  	[sflag:s17] =	ssyncset.done $0x0  }
0x32: {  	s24 =	sadd.s32 $0x2680, s23;
	[sflag:s17] =	ssyncadd.s32 $0xFFFFC000  }
0x33: {  	[spmem:s3] =	stream.indirect.scatter.add.f32 [tilespmem:s15], [sflag:$0x3], $0x80, s24, s14, $0xb8;
	[tilespmem:$0x1E400] =	vst v63  }
0x34: {  	_ =	swait.ge [sflag:s13], $0x4000  }
0x35: {  	[sflag:s13] =	ssyncset.done $0x0  }
0x36: {  	s24 =	sadd.s32 $0x2800, s23;
	[sflag:s13] =	ssyncadd.s32 $0xFFFFC000  }
0x37: {  	[tilespmem:s15], [sflag:$0x1] =	stream.indirect.gather [hbm4b:s1+s14], $0x80, s24, s14, $0xb8;
	[tilespmem:$0x1E400] =	vst v63  }
0x38: {  	_ =	swait.ge [sflag:s18], $0x4000  }
.Ltmp0:
0x39: {  	[sflag:s18] =	ssyncset.done $0x0;
	(pc) =	sbr.rel @p1 .LBB2_2-.Ltmp0, $4  }
0x3a: {  	s23 =	sadd.s32 $0x2780, s23;
	[sflag:s18] =	ssyncadd.s32 $0xFFFFC000  }
0x3b: {  	[spmem:s3] =	stream.indirect.scatter.add.f32 [tilespmem:s16], [sflag:$0x3], $0x80, s23, s14, $0xb8;
	[tilespmem:$0x1E400] =	vst v63  }
0x3c: {  	_ =	swait.ge [sflag:s13], $0x4000  }
0x3d: {  	s24 =	smov.u32 s28;
	s23 =	sshra.s32 s26, $0x2;
	[sflag:s13] =	ssyncset.done $0x0  }
0x3e: {  	s24 =	sadd.s32 $0x2700, s23;
	[sflag:s13] =	ssyncadd.s32 $0xFFFFC000  }
0x3f: {  	[tilespmem:s16], [sflag:$0x2] =	stream.indirect.gather [hbm4b:s1+s14], $0x80, s24, s14, $0xb8;
	[tilespmem:$0x1E400] =	vst v63  }
0x40: {  	_ =	swait.ge [sflag:s17], $0x4000  }
0x41: {  	[sflag:s17] =	ssyncset.done $0x0  }
0x42: {  	s31 =	sadd.s32 $0x2680, s23;
	[sflag:s17] =	ssyncadd.s32 $0xFFFFC000  }
0x43: {  	[spmem:s3] =	stream.indirect.scatter.add.f32 [tilespmem:s15], [sflag:$0x3], $0x80, s31, s14, $0xb8;
	[tilespmem:$0x1E400] =	vst v63  }
0x44: {  	_ =	swait.ge [sflag:s13], $0x4000  }
0x45: {  	[sflag:s13] =	ssyncset.done $0x0  }
0x46: {  	s25 =	sadd.s32 $0x2800, s23;
	[sflag:s13] =	ssyncadd.s32 $0xFFFFC000  }
0x47: {  	[tilespmem:s15], [sflag:$0x1] =	stream.indirect.gather [hbm4b:s1+s14], $0x80, s25, s14, $0xb8;
	[tilespmem:$0x1E400] =	vst v63  }
0x48: {  	_ =	swait.ge [sflag:s18], $0x4000  }
0x49: {  	[sflag:s18] =	ssyncset.done $0x0  }
0x4a: {  	s26 =	sadd.s32 $0x2780, s23;
	[sflag:s18] =	ssyncadd.s32 $0xFFFFC000  }
0x4b: {  	[spmem:s3] =	stream.indirect.scatter.add.f32 [tilespmem:s16], [sflag:$0x3], $0x80, s26, s14, $0xb8;
	[tilespmem:$0x1E400] =	vst v63  }
0x4c: {  	_ =	swait.ge [sflag:s13], $0x4000  }
0x4d: {  	[sflag:s13] =	ssyncset.done $0x0  }
0x4e: {  	[sflag:s13] =	ssyncadd.s32 $0xFFFFC000  }
0x4f: {  	[tilespmem:s16], [sflag:$0x2] =	stream.indirect.gather [hbm4b:s1+s14], $0x80, s19, s14, $0xb8;
	[tilespmem:$0x1E400] =	vst v63  }
0x50: {  	_ =	swait.ge [sflag:s17], $0x4000  }
0x51: {  	[sflag:s17] =	ssyncset.done $0x0  }
0x52: {  	[sflag:s17] =	ssyncadd.s32 $0xFFFFC000  }
0x53: {  	[spmem:s3] =	stream.indirect.scatter.add.f32 [tilespmem:s15], [sflag:$0x3], $0x80, s20, s14, $0xb8;
	[tilespmem:$0x1E400] =	vst v63  }
0x54: {  	_ =	swait.ge [sflag:s13], $0x4000  }
0x55: {  	[sflag:s13] =	ssyncset.done $0x0  }
0x56: {  	s28 =	simm.s32 $0x2;
	[sflag:s13] =	ssyncadd.s32 $0xFFFFC000  }
0x57: {  	_ =	swait.ge [sflag:s28], $0x4000  }
0x58: {  	[sflag:s28] =	ssyncset.done $0x0  }
0x59: {  	[sflag:s28] =	ssyncadd.s32 $0xFFFFC000  }
0x5a: {  	[spmem:s3] =	stream.indirect.scatter.add.f32 [tilespmem:s16], [sflag:$0x3], $0x80, s21, s14, $0xb8;
	[tilespmem:$0x1E400] =	vst v63  }
0x5b: {  	_ =	swait.ge [sflag:s13], $0x4000  }
0x5c: {  	[sflag:s13] =	ssyncset.done $0x0  }
0x5d: {  	[sflag:s13] =	ssyncadd.s32 $0xFFFFC000  }
0x5e: {  	[tilespmem:s4], [sflag:$0x3] =	stream.linear.gather [hbm4b:s8+s4], $0x2800, $0x38;
	[tilespmem:$0x1E400] =	vst v63  }
0x5f: {  	_ =	swait.ge [sflag:s13], $0x2800  }
0x60: {  	[sflag:s13] =	ssyncset.done $0x0  }
0x61: {  	[sflag:s13] =	ssyncadd.s32 $0xFFFFD800  }
0x62: {  	[tilespmem:s15], [sflag:$0x1] =	stream.indirect.gather [hbm4b:s1+s14], $0x80, s4, s14, $0xb8;
	[tilespmem:$0x1E400] =	vst v63  }
0x63: {  	s29 =	simm.s32 $0x100  }
0x64: {  	[tilespmem:s16], [sflag:$0x2] =	stream.indirect.gather [hbm4b:s1+s14], $0x80, s29, s14, $0xb8;
	[tilespmem:$0x1E400] =	vst v63  }
0x65: {  	_ =	swait.ge [sflag:s17], $0x4000  }
0x66: {  	[sflag:s17] =	ssyncset.done $0x0  }
0x67: {  	s30 =	simm.s32 $0x80;
	[sflag:s17] =	ssyncadd.s32 $0xFFFFC000  }
0x68: {  	[spmem:s3] =	stream.indirect.scatter.add.f32 [tilespmem:s15], [sflag:$0x3], $0x80, s30, s14, $0xb8;
	[tilespmem:$0x1E400] =	vst v63  }
0x69: {  	_ =	swait.ge [sflag:s13], $0x4000  }
0x6a: {  	s23 =	simm.s32 $0x200;
	p1 =	sle.u32 s9, $0x2;
	[sflag:s13] =	ssyncset.done $0x0  }
0x6b: {  	s24 =	simm.s32 @!p1 $0x80;
	s25 =	simm.s32 @!p1 $0x2800;
	[sflag:s13] =	ssyncadd.s32 $0xFFFFC000  }
0x6c: {  	[tilespmem:s25], [sflag:$0x1] =	stream.indirect.gather @!p1 [hbm4b:s1+s24], $0x80, s23, s24, $0xb8;
	[tilespmem:$0x1E400] =	vst v63  }
0x6d: {  	_ =	swait.ge [sflag:s18], $0x4000  }
0x6e: {  	[sflag:s18] =	ssyncset.done $0x0  }
0x6f: {  	s31 =	simm.s32 $0x180;
	[sflag:s18] =	ssyncadd.s32 $0xFFFFC000  }
0x70: {  	[spmem:s3] =	stream.indirect.scatter.add.f32 [tilespmem:s16], [sflag:$0x3], $0x80, s31, s14, $0xb8;
	[tilespmem:$0x1E400] =	vst v63  }
0x71: {  	s24 =	simm.s32 $0x4;
	_ =	swait.ge [sflag:s13], $0x4000  }
0x72: {  	s25 =	simm.s32 $0x6;
	s23 =	simm.s32 $0x400;
	[sflag:s13] =	ssyncset.done $0x0  }
.LBB2_4:
0x73: {  	s26 =	sadd.s32 $0xFFFFFF00, s23  }
0x74: {  	[sflag:s13] =	ssyncadd.s32 $0xFFFFC000;
	s28 =	smov.u32 s25;
	s25 =	sadd.s32 $0x2, s25  }
0x75: {  	[tilespmem:s16], [sflag:$0x2] =	stream.indirect.gather [hbm4b:s1+s14], $0x80, s26, s14, $0xb8;
	[tilespmem:$0x1E400] =	vst v63  }
0x76: {  	p1 =	sne.s32 s25, $0x28;
	_ =	swait.ge [sflag:s17], $0x4000  }
0x77: {  	[sflag:s17] =	ssyncset.done $0x0  }
0x78: {  	s26 =	sadd.s32 $0xFFFFFE80, s23;
	[sflag:s17] =	ssyncadd.s32 $0xFFFFC000  }
0x79: {  	[spmem:s3] =	stream.indirect.scatter.add.f32 [tilespmem:s15], [sflag:$0x3], $0x80, s26, s14, $0xb8;
	[tilespmem:$0x1E400] =	vst v63  }
0x7a: {  	_ =	swait.ge [sflag:s13], $0x4000  }
0x7b: {  	p2 =	sge.u32 s24, s9;
	s24 =	smov.u32 s28;
	[sflag:s13] =	ssyncset.done $0x0  }
0x7c: {  	s28 =	simm.s32 @!p2 $0x2800;
	s26 =	simm.s32 @!p2 $0x80;
	[sflag:s13] =	ssyncadd.s32 $0xFFFFC000  }
0x7d: {  	[tilespmem:s28], [sflag:$0x1] =	stream.indirect.gather @!p2 [hbm4b:s1+s26], $0x80, s23, s26, $0xb8;
	[tilespmem:$0x1E400] =	vst v63  }
0x7e: {  	_ =	swait.ge [sflag:s18], $0x4000  }
.Ltmp1:
0x7f: {  	[sflag:s18] =	ssyncset.done $0x0;
	(pc) =	sbr.rel @p1 .LBB2_4-.Ltmp1, $4  }
0x80: {  	s26 =	sadd.s32 $0xFFFFFF80, s23;
	[sflag:s18] =	ssyncadd.s32 $0xFFFFC000  }
0x81: {  	[spmem:s3] =	stream.indirect.scatter.add.f32 [tilespmem:s16], [sflag:$0x3], $0x80, s26, s14, $0xb8;
	[tilespmem:$0x1E400] =	vst v63  }
0x82: {  	_ =	swait.ge [sflag:s13], $0x4000  }
0x83: {  	s23 =	sadd.s32 $0x200, s23;
	[sflag:s13] =	ssyncset.done $0x0  }
0x84: {  	s25 =	sadd.s32 $0xFFFFFF00, s23;
	[sflag:s13] =	ssyncadd.s32 $0xFFFFC000  }
0x85: {  	[tilespmem:s16], [sflag:$0x2] =	stream.indirect.gather [hbm4b:s1+s14], $0x80, s25, s14, $0xb8;
	[tilespmem:$0x1E400] =	vst v63  }
0x86: {  	_ =	swait.ge [sflag:s17], $0x4000  }
0x87: {  	[sflag:s17] =	ssyncset.done $0x0  }
0x88: {  	s30 =	sadd.s32 $0xFFFFFE80, s23;
	[sflag:s17] =	ssyncadd.s32 $0xFFFFC000  }
0x89: {  	[spmem:s3] =	stream.indirect.scatter.add.f32 [tilespmem:s15], [sflag:$0x3], $0x80, s30, s14, $0xb8;
	[tilespmem:$0x1E400] =	vst v63  }
0x8a: {  	_ =	swait.ge [sflag:s13], $0x4000  }
0x8b: {  	p1 =	sge.u32 s24, s9;
	[sflag:s13] =	ssyncset.done $0x0  }
0x8c: {  	s24 =	simm.s32 @!p1 $0x80;
	s25 =	simm.s32 @!p1 $0x2800;
	[sflag:s13] =	ssyncadd.s32 $0xFFFFC000  }
0x8d: {  	[tilespmem:s25], [sflag:$0x1] =	stream.indirect.gather @!p1 [hbm4b:s1+s24], $0x80, s23, s24, $0xb8;
	[tilespmem:$0x1E400] =	vst v63  }
0x8e: {  	_ =	swait.ge [sflag:s18], $0x4000  }
0x8f: {  	[sflag:s18] =	ssyncset.done $0x0  }
0x90: {  	s31 =	sadd.s32 $0xFFFFFF80, s23;
	[sflag:s18] =	ssyncadd.s32 $0xFFFFC000  }
0x91: {  	[spmem:s3] =	stream.indirect.scatter.add.f32 [tilespmem:s16], [sflag:$0x3], $0x80, s31, s14, $0xb8;
	[tilespmem:$0x1E400] =	vst v63  }
0x92: {  	_ =	swait.ge [sflag:s13], $0x4000  }
0x93: {  	[sflag:s13] =	ssyncset.done $0x0  }
0x94: {  	s23 =	simm.s32 @!p0 $0x1;
	[sflag:s13] =	ssyncadd.s32 $0xFFFFC000  }
0x95: {  	_ =	swait.ge @!p0 [sflag:s23], $0x4000  }
0x96: {  	s24 =	simm.s32 @!p0 $0x2680;
	[sflag:s23] =	ssyncset.done @!p0 $0x0  }
0x97: {  	s25 =	simm.s32 @!p0 $0x2800;
	[sflag:s23] =	ssyncadd.s32 @!p0 $0xFFFFC000;
	s23 =	simm.s32 @!p0 $0x80  }
0x98: {  	[spmem:s3] =	stream.indirect.scatter.add.f32 @!p0 [tilespmem:s25], [sflag:$0x3], $0x80, s24, s23, $0xb8;
	[tilespmem:$0x1E400] =	vst v63  }
0x99: {  	s23 =	simm.s32 @!p0 $0x3  }
0x9a: {  	_ =	swait.ge @!p0 [sflag:s23], $0x4000  }
0x9b: {  	s22 =	sadd.s32 $0x1, s22;
	[sflag:s23] =	ssyncset.done @!p0 $0x0  }
0x9c: {  	p1 =	sne.s32 s22, s11;
	[sflag:s23] =	ssyncadd.s32 @!p0 $0xFFFFC000  }
.Ltmp2:
0x9d: {  	[bflag:$0x0] =	sbarrier.arrive $0xFFFF;
	(pc) =	sbr.rel @p1 .LBB2_1-.Ltmp2, $4  }
0x9e: {  	[hbm:s10], [sflag:s6] =	dma.local [spmem:s12], $0x2780  }
0x9f: {  	_ =	swait.ge [sflag:s13], $0x2780  }
0xa0: {  	[sflag:s13] =	ssyncset.done $0x0  }
0xa1: {  	[sflag:s13] =	ssyncadd.s32 $0xFFFFD880  }
0xa2: {  	_ =	sfence.sel $0x180000  }
0xa3: {  	[bflag:$0x0] =	sbarrier.arrive $0xFFFF  }
0xa4: {  	p0 =	sne.s32 s0, $0x0;
	_ =	strace $0x9000004A  }
0xa5: {  	s0 =	sadd.s32 @!p0 $0x100000, s2;
	[bflag:$0x2] =	sbarrier.arrive $0xFFFF  }
0xa6: {  	[sflag:s0] =	ssyncadd.tile.s32 @!p0 $0x1;
	_ =	shalt  }
.Lfunc_end2:
_tile_overlayer_lowered:
.L_overlay_start_2:
0xa7: {  	(tag) =	ssettag $0x2  }
0xa8: {  	s0 =	rddreg [dreg:$0x0];
	s2 =	stileid.u32  }
0xa9: {  	s1 =	rddreg [dreg:$0x1];
	p0 =	sne.s32 s2, $0x0  }
0xaa: {  	s3 =	rddreg [dreg:$0x2];
	[bflag:$0x3] =	sbarrier.arrive $0xFFFF;
	s2 =	simm.s32 @!p0 $0x1C03  }
0xab: {  	[timem:s3], [sflag:s2] =	dma.local @!p0 [hbm:s0], s1  }
0xac: {  	s0 =	simm.s32 @!p0 $0x3  }
0xad: {  	_ =	swait.ge @!p0 [sflag:s0], s1  }
0xae: {  	s1 =	ssub.s32 @!p0 $0x0, s1;
	[sflag:s0] =	ssyncset.done @!p0 $0x0  }
0xaf: {  	[sflag:s0] =	ssyncadd.s32 @!p0 s1  }
0xb0: {  	[bflag:$0x3] =	sbarrier.arrive $0xFFFF  }
0xb1: {  	_ =	shalt  }

// kernel: kernel.8.cloned.1.call-start
scs
__scs_entry_jumppad:
0x0: {  	(pc) =	sbr.rel $0x88, $3  }
0x1: {  	(tag) =	ssettag $0x0;
	lr =	simm.s32 $0x1  }
0x2: {  	[smem:$0x3F99] =	sst lr;
	_ =	strace $0xD0000000  }
0x3: {  	_ = 	snop  }
0x4: {  	_ = 	snop  }
0x5: {  	_ = 	snop  }
0x6: {  	_ = 	snop  }
0x7: {  	_ = 	snop  }
__scs_overlays_trampoline_lowered:
0x8: {  	[smem:$0x3FA8] =	sst s0  }
0x9: {  	[smem:$0x3FA9] =	sst s1  }
0xa: {  	[smem:$0x3FAA] =	sst s2  }
0xb: {  	[smem:$0x3FAB] =	sst s3  }
0xc: {  	[smem:$0x3FAC] =	sst s4  }
0xd: {  	[smem:$0x3FAD] =	sst s5  }
0xe: {  	[smem:$0x3FAE] =	sst s6  }
0xf: {  	[smem:$0x3FAF] =	sst s7  }
0x10: {  	[smem:$0x3FB0] =	sst s8  }
0x11: {  	[smem:$0x3FB1] =	sst s9;
	s0 =	simm.s32 @!p0 $0x0  }
0x12: {  	s1 =	sld [smem:$0x3F97];
	s0 =	simm.s32 @p0 $0x1  }
0x13: {  	[smem:$0x3FB2] =	sst s0;
	s0 =	simm.s32 @!p1 $0x0  }
0x14: {  	s2 =	sld [smem:$0x3F96];
	s0 =	simm.s32 @p1 $0x1  }
0x15: {  	[smem:$0x3FB3] =	sst s0;
	s0 =	simm.s32 @!p2 $0x0  }
0x16: {  	s3 =	sld [smem:$0x3FDB];
	s0 =	simm.s32 @p2 $0x1  }
0x17: {  	s4 =	simm.s32 $0x1BF5;
	[smem:$0x3FB5] =	sst s0  }
0x18: {  	s0 =	sld [smem:$0x3F98];
	_ =	swait.ge [sflag:s4], $0x0  }
0x19: {  	s7 =	sld [smem:$0x3F99]  }
0x1a: {  	s8 =	sadd.s32 $0xFFFFE003, lr  }
0x1b: {  	s9 =	sadd.s32 $0xFFFFFEF7, lr;
	s5 =	simm.s32 $0xFFFFFFFF;
	p2 =	slt.u32 s8, $0xFFFFF086  }
0x1c: {  	p1 =	slt.u32 s9, $0xF7A;
	s5 =	simm.s32 @!p2 $0x0  }
0x1d: {  	s5 =	simm.s32 @p1 $0x1;
	p0 =	seq.s32 s7, s2  }
0x1e: {  	s7 =	smul.u32 @!p0 $0xF7A, s2;
	p2 =	seq.s32 @!p0 s5, $0x0  }
0x1f: {  	s9 =	smul.u32 $0xF7A, s1;
	s8 =	simm.s32 @!p0 $0x1BF5;
	p2 =	por !p2, p0  }
0x20: {  	[sflag:s8] =	ssyncset.s32 @!p0 $0xFFFFF086;
	s6 =	sadd.s32 @!p0 s3, s7;
	s7 =	simm.s32 @!p0 $0x108  }
0x21: {  	s3 =	sadd.s32 s3, s9;
	s6 =	sadd.s32 @!p0 $0x88, s6;
	s7 =	simm.s32 @p2 $0x1082  }
0x22: {  	[simem:s7], [sflag:s8] =	dma.local @!p0 [hbm:s6], $0xF7A  }
0x23: {  	s9 =	sor.u32 $0xD0000000, s2;
	s6 =	simm.s32 $0x108;
	_ =	swait.ge @!p0 [sflag:s8], $0x0  }
0x24: {  	s3 =	sadd.s32 $0x88, s3;
	s6 =	simm.s32 @!p1 $0x1082;
	[sflag:s4] =	ssyncset.s32 $0xFFFFF086  }
0x25: {  	[simem:s6], [sflag:s4] =	dma.local [hbm:s3], $0xF7A  }
0x26: {  	[smem:$0x3F99] =	sst s1;
	(tag) =	ssettag s2;
	_ =	strace s9  }
0x27: {  	s1 =	sld [smem:$0x3FA9]  }
0x28: {  	s2 =	sld [smem:$0x3FAA]  }
0x29: {  	s4 =	sld [smem:$0x3FAC]  }
0x2a: {  	p0 =	seq.s32 s5, $0x0;
	s5 =	sld [smem:$0x3FAD]  }
0x2b: {  	s6 =	sld [smem:$0x3FAE]  }
0x2c: {  	s7 =	sld [smem:$0x3FAF]  }
0x2d: {  	s3 =	simm.s32 $0x108;
	s8 =	sld [smem:$0x3FB0]  }
0x2e: {  	s3 =	simm.s32 @!p0 $0x1082;
	s9 =	sld [smem:$0x3FB1]  }
0x2f: {  	lr =	sadd.s32 s0, s3;
	s0 =	sld [smem:$0x3FA8]  }
0x30: {  	s3 =	sld [smem:$0x3FAB]  }
0x31: {  	[smem:$0x3FB4] =	sst s10  }
0x32: {  	s10 =	sld [smem:$0x3FB2];
	_ =	sdelay $0x3  }
0x33: {  	p0 =	seq.s32 s10, $0x1;
	s10 =	sld [smem:$0x3FB4];
	_ =	sdelay $0x3  }
0x34: {  	[smem:$0x3FB4] =	sst s10  }
0x35: {  	s10 =	sld [smem:$0x3FB3];
	_ =	sdelay $0x3  }
0x36: {  	p1 =	seq.s32 s10, $0x1;
	s10 =	sld [smem:$0x3FB4];
	_ =	sdelay $0x3  }
0x37: {  	[smem:$0x3FB4] =	sst s10  }
0x38: {  	s10 =	sld [smem:$0x3FB5]  }
0x39: {  	_ = 	snop;
	(pc) =	sbr.ind lr, $3  }
0x3a: {  	_ = 	snop  }
0x3b: {  	_ = 	snop  }
0x3c: {  	p2 =	seq.s32 s10, $0x1;
	s10 =	sld [smem:$0x3FB4]  }
0x3d: {  	_ =	shalt  }
0x3e: {  	_ =	shalt  }
0x3f: {  	_ =	shalt  }
0x40: {  	_ =	shalt  }
0x41: {  	_ =	shalt  }
0x42: {  	_ =	shalt  }
0x43: {  	_ =	shalt  }
0x44: {  	_ =	shalt  }
0x45: {  	_ =	shalt  }
0x46: {  	_ =	shalt  }
0x47: {  	_ =	shalt  }
0x48: {  	_ =	shalt  }
0x49: {  	_ =	shalt  }
0x4a: {  	_ =	shalt  }
0x4b: {  	_ =	shalt  }
0x4c: {  	_ =	shalt  }
0x4d: {  	_ =	shalt  }
0x4e: {  	_ =	shalt  }
0x4f: {  	_ =	shalt  }
0x50: {  	_ =	shalt  }
0x51: {  	_ =	shalt  }
0x52: {  	_ =	shalt  }
0x53: {  	_ =	shalt  }
0x54: {  	_ =	shalt  }
0x55: {  	_ =	shalt  }
0x56: {  	_ =	shalt  }
0x57: {  	_ =	shalt  }
0x58: {  	_ =	shalt  }
0x59: {  	_ =	shalt  }
0x5a: {  	_ =	shalt  }
0x5b: {  	_ =	shalt  }
0x5c: {  	_ =	shalt  }
0x5d: {  	_ =	shalt  }
0x5e: {  	_ =	shalt  }
0x5f: {  	_ =	shalt  }
0x60: {  	_ =	shalt  }
0x61: {  	_ =	shalt  }
0x62: {  	_ =	shalt  }
0x63: {  	_ =	shalt  }
0x64: {  	_ =	shalt  }
0x65: {  	_ =	shalt  }
0x66: {  	_ =	shalt  }
0x67: {  	_ =	shalt  }
0x68: {  	_ =	shalt  }
0x69: {  	_ =	shalt  }
0x6a: {  	_ =	shalt  }
0x6b: {  	_ =	shalt  }
0x6c: {  	_ =	shalt  }
0x6d: {  	_ =	shalt  }
0x6e: {  	_ =	shalt  }
0x6f: {  	_ =	shalt  }
0x70: {  	_ =	shalt  }
0x71: {  	_ =	shalt  }
0x72: {  	_ =	shalt  }
0x73: {  	_ =	shalt  }
0x74: {  	_ =	shalt  }
0x75: {  	_ =	shalt  }
0x76: {  	_ =	shalt  }
0x77: {  	_ =	shalt  }
0x78: {  	_ =	shalt  }
0x79: {  	_ =	shalt  }
0x7a: {  	_ =	shalt  }
0x7b: {  	_ =	shalt  }
0x7c: {  	_ =	shalt  }
0x7d: {  	_ =	shalt  }
0x7e: {  	_ =	shalt  }
0x7f: {  	_ =	shalt  }
0x80: {  	_ =	shalt  }
0x81: {  	_ =	shalt  }
0x82: {  	_ =	shalt  }
0x83: {  	_ =	shalt  }
0x84: {  	_ =	shalt  }
0x85: {  	_ =	shalt  }
0x86: {  	_ =	shalt  }
0x87: {  	_ =	shalt  }
.Lfunc_end0:
.L_simem_size_0:
called_computation_lowered:
.L_overlay_start_0:
0x88: {  	s2 =	sld [smem:$0x3FD9]  }
0x89: {  	s3 =	sld [smem:$0x3FFE];
	_ =	sdelay $0x1  }
0x8a: {  	s1 =	srdreg.scid  }
0x8b: {  	s0 =	sand.u32 $0x1, s1  }
0x8c: {  	s17 =	sshll.u32 s0, $0xA;
	s2 =	sadd.s32 s3, s2  }
0x8d: {  	s2 =	sadd.s32 s2, s17  }
0x8e: {  	[smem:$0x3FC0] =	sst s2  }
0x8f: {  	_ = 	snop  }
0x90: {  	s2 =	sld [smem:$0x3FD0];
	(tm) =	ssettm $0x1  }
0x91: {  	s18 =	sld [smem:$0x3FFB];
	_ =	sdelay $0x3  }
0x92: {  	_ =	strace s18  }
0x93: {  	s3 =	sld [smem:$0x3FFC];
	_ =	sdelay $0x3  }
0x94: {  	_ =	strace s3  }
0x95: {  	s3 =	sld [smem:$0x3FFD];
	_ =	sdelay $0x3  }
0x96: {  	_ =	strace s3  }
0x97: {  	_ =	strace $0x8FFFFFFF  }
0x98: {  	s19 =	sld [smem:$0x3FDB];
	_ =	sdelay $0x1  }
0x99: {  	s4 =	simm.s32 $_scs_section_size  }
0x9a: {  	s5 =	simm.s32 $_size__tile_overlayer_lowered;
	s6 =	simm.s32 $_tile_overlayer_lowered  }
0x9b: {  	s22 =	simm.s32 $0x1BFF;
	s21 =	sshll.u32 s6, $0x1;
	s3 =	sadd.s32 s4, s19  }
0x9c: {  	s7 =	simm.s32 $0x0;
	s20 =	sshll.u32 s5, $0x1;
	s5 =	sadd.s32 s21, s3  }
0x9d: {  	[timem:s7], [sflag:s22] =	dma.local [hbm:s5], s20  }
0x9e: {  	_ =	swait.ge [sflag:s22], s20  }
0x9f: {  	s4 =	ssub.s32 $0x0, s20;
	[sflag:s22] =	ssyncset.done $0x0  }
0xa0: {  	[sflag:s22] =	ssyncadd.s32 s4;
	_ =	sdelay $0x1  }
0xa1: {  	s23 =	simm.s32 $0x1B8B  }
0xa2: {  	_ =	swait.ge [sflag:s23], $0x1  }
0xa3: {  	[sflag:s23] =	ssyncset.done $0x0  }
0xa4: {  	s25 =	simm.s32 $0x1B8E;
	s24 =	sld [smem:$0x3FFE];
	[sflag:s23] =	ssyncadd.s32 $0xFFFFFFFF  }
0xa5: {  	s26 =	simm.s32 $execute0_lowered;
	[smem:$0x3FD2] =	sst s25  }
0xa6: {  	s5 =	sshll.u32 s26, $0x1;
	_ =	strace $0x80000046;
	[dreg:$0x1] =	wrdreg $0xFFFFFFFF  }
0xa7: {  	s28 =	simm.s32 $_size_execute0_lowered;
	s3 =	sadd.s32 s3, s5;
	[dreg:$0x0] =	wrdreg $0x0  }
0xa8: {  	s5 =	sshll.u32 s28, $0x1;
	[dreg:$0x2] =	wrdreg s3  }
0xa9: {  	[dreg:$0x3] =	wrdreg s5  }
0xaa: {  	[dreg:$0x4] =	wrdreg $0xC0  }
0xab: {  	_ =	task [dreg:s7], $0x5FFFF  }
0xac: {  	[dreg:$0x1] =	wrdreg $0xFFFFFFFF  }
0xad: {  	[dreg:$0x0] =	wrdreg $0x60  }
0xae: {  	[dreg:$0x2] =	wrdreg s2  }
0xaf: {  	[dreg:$0x3] =	wrdreg s24  }
0xb0: {  	[dreg:$0x4] =	wrdreg $0xA8000  }
0xb1: {  	[dreg:$0x5] =	wrdreg $0x9  }
0xb2: {  	_ =	task.clear_ibuf [dreg:s7], $0x6FFFF;
	_ =	strace $0x90000046  }
0xb3: {  	s29 =	simm.s32 $0x9;
	_ =	strace $0x80000048  }
0xb4: {  	_ =	swait.ge [sflag:s29], $0x1  }
0xb5: {  	[sflag:s29] =	ssyncadd.s32 $0xFFFFFFFF  }
0xb6: {  	_ =	strace $0x90000048  }
0xb7: {  	_ =	sfence  }
0xb8: {  	s30 =	sld [smem:$0x0];
	_ =	sdelay $0x2  }
0xb9: {  	s31 =	sshll.u32 s1, $0xD;
	s1 =	sshrl.u32 s1, $0x2  }
0xba: {  	s3 =	sand.u32 $0x4000, s31;
	s1 =	sadd.s32 s1, s30  }
0xbb: {  	s0 =	sor.u32 s3, s0;
	s1 =	sshll.u32 s1, $0x11  }
0xbc: {  	s0 =	sor.u32 s1, s0  }
0xbd: {  	s0 =	sadd.s32 $0x8F2B, s0  }
0xbe: {  	[sflag:s0] =	ssyncadd.remote.s32 $0x1  }
0xbf: {  	_ =	sfence.sel $0xFFFF  }
0xc0: {  	[dreg:$0x0] =	wrdreg $0xFFFFFFFF;
	(pc) =	sbr.abs _section_cstart, $3  }
0xc1: {  	[dreg:$0x1] =	wrdreg $0xFFFFFFFF  }
0xc2: {  	_ =	task.clear_ibuf [dreg:s7], $0x2FFFF;
	_ =	strace $0x9FFFFFFF  }
0xc3: {  	(tm) =	ssettm $0x7FFFFFFF  }
tec
execute0_lowered:
.L_overlay_start_1:
0x0: {  	(tag) =	ssettag $0x1  }
0x1: {  	s2 =	srdreg.scid;
	s1 =	rddreg [dreg:$0x0]  }
0x2: {  	s0 =	stileid.u32;
	s6 =	rddreg [dreg:$0x1]  }
0x3: {  	s3 =	rddreg [dreg:$0x2];
	s14 =	simm.s32 $0x80;
	s15 =	simm.s32 $0x2800  }
0x4: {  	s16 =	simm.s32 $0x6800;
	s17 =	simm.s32 $0x1;
	s18 =	simm.s32 $0x2  }
0x5: {  	s19 =	simm.s32 $0x2700;
	s20 =	simm.s32 $0x2680;
	s21 =	simm.s32 $0x2780  }
0x6: {  	s22 =	simm.s32 $0x0;
	s5 =	sand.u32 $0x1, s2;
	s25 =	smul.u32 $0x13C00, s0  }
0x7: {  	s24 =	sshll.u32 s0, $0x1;
	s2 =	rddreg [dreg:$0x3];
	s28 =	smul.u32 $0x4F000, s0  }
0x8: {  	s31 =	sshll.u32 s0, $0x6;
	s4 =	sor.u32 s5, s24;
	s9 =	smul.u32 $0x13C000, s5  }
0x9: {  	p0 =	slt.u32 s0, $0x2;
	s5 =	ssub.s32 $0x2, s5;
	s7 =	smul.u32 $0x4E, s4  }
0xa: {  	s8 =	smin.u32 s4, $0x4;
	s4 =	simm.s32 $0x0;
	s26 =	sshrl.u32 s25, $0x3  }
0xb: {  	s29 =	sshrl.u32 s5, $0x1;
	s30 =	sshrl.u32 s28, $0x2;
	[smem:$0x7FF] =	sst s4  }
0xc: {  	s12 =	ssub.s32 s5, s29;
	s13 =	sadd.s32 s30, s3;
	s7 =	sadd.s32 s8, s7  }
0xd: {  	_ =	strace $0x80000047;
	s8 =	sadd.s32 s25, s9;
	s9 =	simm.s32 $0x27  }
0xe: {  	s7 =	sshll.u32 s7, $0x5;
	s8 =	sshrl.u32 s8, $0x3;
	s9 =	simm.s32 @!p0 $0x26  }
0xf: {  	p0 =	sgt.u32 s0, $0x1;
	s10 =	sadd.s32 s7, s6;
	s7 =	sadd.s32 s26, s6  }
0x10: {  	s11 =	sadd.s32 s8, s6;
	s6 =	sor.u32 $0x1C03, s31;
	s5 =	sadd.s32 $0x16600, s7  }
0x11: {  	s7 =	sadd.s32 $0x2200, s10;
	s8 =	sadd.s32 $0x2700, s10;
	s10 =	sadd.s32 $0x3DE00, s11  }
0x12: {  	s11 =	smax.u32 s12, $0x1;
	s12 =	sshrl.u32 s13, $0x3;
	s13 =	simm.s32 $0x3  }
.LBB2_1:
0x13: {  	[spmem:s12], [sflag:s6] =	dma.local [hbm:s5], $0x2780  }
0x14: {  	_ =	swait.ge [sflag:s13], $0x2780  }
0x15: {  	[sflag:s13] =	ssyncset.done $0x0  }
0x16: {  	[sflag:s13] =	ssyncadd.s32 $0xFFFFD880  }
0x17: {  	[tilespmem:s4], [sflag:$0x3] =	stream.linear.gather [hbm4b:s7+s4], $0x2800, $0x38;
	[tilespmem:$0x1E400] =	vst v63  }
0x18: {  	_ =	swait.ge [sflag:s13], $0x2800  }
0x19: {  	[sflag:s13] =	ssyncset.done $0x0  }
0x1a: {  	[sflag:s13] =	ssyncadd.s32 $0xFFFFD800  }
0x1b: {  	[bflag:$0x0] =	sbarrier.arrive $0xFFFF  }
0x1c: {  	[tilespmem:s15], [sflag:$0x1] =	stream.indirect.gather [hbm4b:s1+s14], $0x80, s4, s14, $0xb8;
	[tilespmem:$0x1E400] =	vst v63  }
0x1d: {  	s23 =	simm.s32 $0x100  }
0x1e: {  	[tilespmem:s16], [sflag:$0x2] =	stream.indirect.gather [hbm4b:s1+s14], $0x80, s23, s14, $0xb8;
	[tilespmem:$0x1E400] =	vst v63  }
0x1f: {  	_ =	swait.ge [sflag:s17], $0x4000  }
0x20: {  	[sflag:s17] =	ssyncset.done $0x0  }
0x21: {  	s29 =	simm.s32 $0x80;
	[sflag:s17] =	ssyncadd.s32 $0xFFFFC000  }
0x22: {  	[spmem:s3] =	stream.indirect.scatter.add.f32 [tilespmem:s15], [sflag:$0x3], $0x80, s29, s14, $0xb8;
	[tilespmem:$0x1E400] =	vst v63  }
0x23: {  	_ =	swait.ge [sflag:s13], $0x4000  }
0x24: {  	[sflag:s13] =	ssyncset.done $0x0  }
0x25: {  	s30 =	simm.s32 $0x200;
	[sflag:s13] =	ssyncadd.s32 $0xFFFFC000  }
0x26: {  	[tilespmem:s15], [sflag:$0x1] =	stream.indirect.gather [hbm4b:s1+s14], $0x80, s30, s14, $0xb8;
	[tilespmem:$0x1E400] =	vst v63  }
0x27: {  	_ =	swait.ge [sflag:s18], $0x4000  }
0x28: {  	[sflag:s18] =	ssyncset.done $0x0  }
0x29: {  	s31 =	simm.s32 $0x180;
	[sflag:s18] =	ssyncadd.s32 $0xFFFFC000  }
0x2a: {  	[spmem:s3] =	stream.indirect.scatter.add.f32 [tilespmem:s16], [sflag:$0x3], $0x80, s31, s14, $0xb8;
	[tilespmem:$0x1E400] =	vst v63  }
0x2b: {  	_ =	swait.ge [sflag:s13], $0x4000  }
0x2c: {  	s24 =	simm.s32 $0xFFFF7800;
	s23 =	simm.s32 $0xFFFFDC00;
	[sflag:s13] =	ssyncset.done $0x0  }
.LBB2_2:
0x2d: {  	s25 =	sadd.s32 $0x2700, s23  }
0x2e: {  	[sflag:s13] =	ssyncadd.s32 $0xFFFFC000;
	s26 =	smov.u32 s24;
	s28 =	sadd.s32 $0x800, s24  }
0x2f: {  	[tilespmem:s16], [sflag:$0x2] =	stream.indirect.gather [hbm4b:s1+s14], $0x80, s25, s14, $0xb8;
	[tilespmem:$0x1E400] =	vst v63  }
0x30: {  	p1 =	sne.s32 s24, $0xFFFFF800;
	_ =	swait.ge [sflag:s17], $0x4000  }
0x31: {  	[sflag:s17] =	ssyncset.done $0x0  }
0x32: {  	s24 =	sadd.s32 $0x2680, s23;
	[sflag:s17] =	ssyncadd.s32 $0xFFFFC000  }
0x33: {  	[spmem:s3] =	stream.indirect.scatter.add.f32 [tilespmem:s15], [sflag:$0x3], $0x80, s24, s14, $0xb8;
	[tilespmem:$0x1E400] =	vst v63  }
0x34: {  	_ =	swait.ge [sflag:s13], $0x4000  }
0x35: {  	[sflag:s13] =	ssyncset.done $0x0  }
0x36: {  	s24 =	sadd.s32 $0x2800, s23;
	[sflag:s13] =	ssyncadd.s32 $0xFFFFC000  }
0x37: {  	[tilespmem:s15], [sflag:$0x1] =	stream.indirect.gather [hbm4b:s1+s14], $0x80, s24, s14, $0xb8;
	[tilespmem:$0x1E400] =	vst v63  }
0x38: {  	_ =	swait.ge [sflag:s18], $0x4000  }
.Ltmp0:
0x39: {  	[sflag:s18] =	ssyncset.done $0x0;
	(pc) =	sbr.rel @p1 .LBB2_2-.Ltmp0, $4  }
0x3a: {  	s23 =	sadd.s32 $0x2780, s23;
	[sflag:s18] =	ssyncadd.s32 $0xFFFFC000  }
0x3b: {  	[spmem:s3] =	stream.indirect.scatter.add.f32 [tilespmem:s16], [sflag:$0x3], $0x80, s23, s14, $0xb8;
	[tilespmem:$0x1E400] =	vst v63  }
0x3c: {  	_ =	swait.ge [sflag:s13], $0x4000  }
0x3d: {  	s24 =	smov.u32 s28;
	s23 =	sshra.s32 s26, $0x2;
	[sflag:s13] =	ssyncset.done $0x0  }
0x3e: {  	s24 =	sadd.s32 $0x2700, s23;
	[sflag:s13] =	ssyncadd.s32 $0xFFFFC000  }
0x3f: {  	[tilespmem:s16], [sflag:$0x2] =	stream.indirect.gather [hbm4b:s1+s14], $0x80, s24, s14, $0xb8;
	[tilespmem:$0x1E400] =	vst v63  }
0x40: {  	_ =	swait.ge [sflag:s17], $0x4000  }
0x41: {  	[sflag:s17] =	ssyncset.done $0x0  }
0x42: {  	s31 =	sadd.s32 $0x2680, s23;
	[sflag:s17] =	ssyncadd.s32 $0xFFFFC000  }
0x43: {  	[spmem:s3] =	stream.indirect.scatter.add.f32 [tilespmem:s15], [sflag:$0x3], $0x80, s31, s14, $0xb8;
	[tilespmem:$0x1E400] =	vst v63  }
0x44: {  	_ =	swait.ge [sflag:s13], $0x4000  }
0x45: {  	[sflag:s13] =	ssyncset.done $0x0  }
0x46: {  	s25 =	sadd.s32 $0x2800, s23;
	[sflag:s13] =	ssyncadd.s32 $0xFFFFC000  }
0x47: {  	[tilespmem:s15], [sflag:$0x1] =	stream.indirect.gather [hbm4b:s1+s14], $0x80, s25, s14, $0xb8;
	[tilespmem:$0x1E400] =	vst v63  }
0x48: {  	_ =	swait.ge [sflag:s18], $0x4000  }
0x49: {  	[sflag:s18] =	ssyncset.done $0x0  }
0x4a: {  	s26 =	sadd.s32 $0x2780, s23;
	[sflag:s18] =	ssyncadd.s32 $0xFFFFC000  }
0x4b: {  	[spmem:s3] =	stream.indirect.scatter.add.f32 [tilespmem:s16], [sflag:$0x3], $0x80, s26, s14, $0xb8;
	[tilespmem:$0x1E400] =	vst v63  }
0x4c: {  	_ =	swait.ge [sflag:s13], $0x4000  }
0x4d: {  	[sflag:s13] =	ssyncset.done $0x0  }
0x4e: {  	[sflag:s13] =	ssyncadd.s32 $0xFFFFC000  }
0x4f: {  	[tilespmem:s16], [sflag:$0x2] =	stream.indirect.gather [hbm4b:s1+s14], $0x80, s19, s14, $0xb8;
	[tilespmem:$0x1E400] =	vst v63  }
0x50: {  	_ =	swait.ge [sflag:s17], $0x4000  }
0x51: {  	[sflag:s17] =	ssyncset.done $0x0  }
0x52: {  	[sflag:s17] =	ssyncadd.s32 $0xFFFFC000  }
0x53: {  	[spmem:s3] =	stream.indirect.scatter.add.f32 [tilespmem:s15], [sflag:$0x3], $0x80, s20, s14, $0xb8;
	[tilespmem:$0x1E400] =	vst v63  }
0x54: {  	_ =	swait.ge [sflag:s13], $0x4000  }
0x55: {  	[sflag:s13] =	ssyncset.done $0x0  }
0x56: {  	s28 =	simm.s32 $0x2;
	[sflag:s13] =	ssyncadd.s32 $0xFFFFC000  }
0x57: {  	_ =	swait.ge [sflag:s28], $0x4000  }
0x58: {  	[sflag:s28] =	ssyncset.done $0x0  }
0x59: {  	[sflag:s28] =	ssyncadd.s32 $0xFFFFC000  }
0x5a: {  	[spmem:s3] =	stream.indirect.scatter.add.f32 [tilespmem:s16], [sflag:$0x3], $0x80, s21, s14, $0xb8;
	[tilespmem:$0x1E400] =	vst v63  }
0x5b: {  	_ =	swait.ge [sflag:s13], $0x4000  }
0x5c: {  	[sflag:s13] =	ssyncset.done $0x0  }
0x5d: {  	[sflag:s13] =	ssyncadd.s32 $0xFFFFC000  }
0x5e: {  	[tilespmem:s4], [sflag:$0x3] =	stream.linear.gather [hbm4b:s8+s4], $0x2800, $0x38;
	[tilespmem:$0x1E400] =	vst v63  }
0x5f: {  	_ =	swait.ge [sflag:s13], $0x2800  }
0x60: {  	[sflag:s13] =	ssyncset.done $0x0  }
0x61: {  	[sflag:s13] =	ssyncadd.s32 $0xFFFFD800  }
0x62: {  	[tilespmem:s15], [sflag:$0x1] =	stream.indirect.gather [hbm4b:s1+s14], $0x80, s4, s14, $0xb8;
	[tilespmem:$0x1E400] =	vst v63  }
0x63: {  	s29 =	simm.s32 $0x100  }
0x64: {  	[tilespmem:s16], [sflag:$0x2] =	stream.indirect.gather [hbm4b:s1+s14], $0x80, s29, s14, $0xb8;
	[tilespmem:$0x1E400] =	vst v63  }
0x65: {  	_ =	swait.ge [sflag:s17], $0x4000  }
0x66: {  	[sflag:s17] =	ssyncset.done $0x0  }
0x67: {  	s30 =	simm.s32 $0x80;
	[sflag:s17] =	ssyncadd.s32 $0xFFFFC000  }
0x68: {  	[spmem:s3] =	stream.indirect.scatter.add.f32 [tilespmem:s15], [sflag:$0x3], $0x80, s30, s14, $0xb8;
	[tilespmem:$0x1E400] =	vst v63  }
0x69: {  	_ =	swait.ge [sflag:s13], $0x4000  }
0x6a: {  	s23 =	simm.s32 $0x200;
	p1 =	sle.u32 s9, $0x2;
	[sflag:s13] =	ssyncset.done $0x0  }
0x6b: {  	s24 =	simm.s32 @!p1 $0x80;
	s25 =	simm.s32 @!p1 $0x2800;
	[sflag:s13] =	ssyncadd.s32 $0xFFFFC000  }
0x6c: {  	[tilespmem:s25], [sflag:$0x1] =	stream.indirect.gather @!p1 [hbm4b:s1+s24], $0x80, s23, s24, $0xb8;
	[tilespmem:$0x1E400] =	vst v63  }
0x6d: {  	_ =	swait.ge [sflag:s18], $0x4000  }
0x6e: {  	[sflag:s18] =	ssyncset.done $0x0  }
0x6f: {  	s31 =	simm.s32 $0x180;
	[sflag:s18] =	ssyncadd.s32 $0xFFFFC000  }
0x70: {  	[spmem:s3] =	stream.indirect.scatter.add.f32 [tilespmem:s16], [sflag:$0x3], $0x80, s31, s14, $0xb8;
	[tilespmem:$0x1E400] =	vst v63  }
0x71: {  	s24 =	simm.s32 $0x4;
	_ =	swait.ge [sflag:s13], $0x4000  }
0x72: {  	s25 =	simm.s32 $0x6;
	s23 =	simm.s32 $0x400;
	[sflag:s13] =	ssyncset.done $0x0  }
.LBB2_4:
0x73: {  	s26 =	sadd.s32 $0xFFFFFF00, s23  }
0x74: {  	[sflag:s13] =	ssyncadd.s32 $0xFFFFC000;
	s28 =	smov.u32 s25;
	s25 =	sadd.s32 $0x2, s25  }
0x75: {  	[tilespmem:s16], [sflag:$0x2] =	stream.indirect.gather [hbm4b:s1+s14], $0x80, s26, s14, $0xb8;
	[tilespmem:$0x1E400] =	vst v63  }
0x76: {  	p1 =	sne.s32 s25, $0x28;
	_ =	swait.ge [sflag:s17], $0x4000  }
0x77: {  	[sflag:s17] =	ssyncset.done $0x0  }
0x78: {  	s26 =	sadd.s32 $0xFFFFFE80, s23;
	[sflag:s17] =	ssyncadd.s32 $0xFFFFC000  }
0x79: {  	[spmem:s3] =	stream.indirect.scatter.add.f32 [tilespmem:s15], [sflag:$0x3], $0x80, s26, s14, $0xb8;
	[tilespmem:$0x1E400] =	vst v63  }
0x7a: {  	_ =	swait.ge [sflag:s13], $0x4000  }
0x7b: {  	p2 =	sge.u32 s24, s9;
	s24 =	smov.u32 s28;
	[sflag:s13] =	ssyncset.done $0x0  }
0x7c: {  	s28 =	simm.s32 @!p2 $0x2800;
	s26 =	simm.s32 @!p2 $0x80;
	[sflag:s13] =	ssyncadd.s32 $0xFFFFC000  }
0x7d: {  	[tilespmem:s28], [sflag:$0x1] =	stream.indirect.gather @!p2 [hbm4b:s1+s26], $0x80, s23, s26, $0xb8;
	[tilespmem:$0x1E400] =	vst v63  }
0x7e: {  	_ =	swait.ge [sflag:s18], $0x4000  }
.Ltmp1:
0x7f: {  	[sflag:s18] =	ssyncset.done $0x0;
	(pc) =	sbr.rel @p1 .LBB2_4-.Ltmp1, $4  }
0x80: {  	s26 =	sadd.s32 $0xFFFFFF80, s23;
	[sflag:s18] =	ssyncadd.s32 $0xFFFFC000  }
0x81: {  	[spmem:s3] =	stream.indirect.scatter.add.f32 [tilespmem:s16], [sflag:$0x3], $0x80, s26, s14, $0xb8;
	[tilespmem:$0x1E400] =	vst v63  }
0x82: {  	_ =	swait.ge [sflag:s13], $0x4000  }
0x83: {  	s23 =	sadd.s32 $0x200, s23;
	[sflag:s13] =	ssyncset.done $0x0  }
0x84: {  	s25 =	sadd.s32 $0xFFFFFF00, s23;
	[sflag:s13] =	ssyncadd.s32 $0xFFFFC000  }
0x85: {  	[tilespmem:s16], [sflag:$0x2] =	stream.indirect.gather [hbm4b:s1+s14], $0x80, s25, s14, $0xb8;
	[tilespmem:$0x1E400] =	vst v63  }
0x86: {  	_ =	swait.ge [sflag:s17], $0x4000  }
0x87: {  	[sflag:s17] =	ssyncset.done $0x0  }
0x88: {  	s30 =	sadd.s32 $0xFFFFFE80, s23;
	[sflag:s17] =	ssyncadd.s32 $0xFFFFC000  }
0x89: {  	[spmem:s3] =	stream.indirect.scatter.add.f32 [tilespmem:s15], [sflag:$0x3], $0x80, s30, s14, $0xb8;
	[tilespmem:$0x1E400] =	vst v63  }
0x8a: {  	_ =	swait.ge [sflag:s13], $0x4000  }
0x8b: {  	p1 =	sge.u32 s24, s9;
	[sflag:s13] =	ssyncset.done $0x0  }
0x8c: {  	s24 =	simm.s32 @!p1 $0x80;
	s25 =	simm.s32 @!p1 $0x2800;
	[sflag:s13] =	ssyncadd.s32 $0xFFFFC000  }
0x8d: {  	[tilespmem:s25], [sflag:$0x1] =	stream.indirect.gather @!p1 [hbm4b:s1+s24], $0x80, s23, s24, $0xb8;
	[tilespmem:$0x1E400] =	vst v63  }
0x8e: {  	_ =	swait.ge [sflag:s18], $0x4000  }
0x8f: {  	[sflag:s18] =	ssyncset.done $0x0  }
0x90: {  	s31 =	sadd.s32 $0xFFFFFF80, s23;
	[sflag:s18] =	ssyncadd.s32 $0xFFFFC000  }
0x91: {  	[spmem:s3] =	stream.indirect.scatter.add.f32 [tilespmem:s16], [sflag:$0x3], $0x80, s31, s14, $0xb8;
	[tilespmem:$0x1E400] =	vst v63  }
0x92: {  	_ =	swait.ge [sflag:s13], $0x4000  }
0x93: {  	[sflag:s13] =	ssyncset.done $0x0  }
0x94: {  	s23 =	simm.s32 @!p0 $0x1;
	[sflag:s13] =	ssyncadd.s32 $0xFFFFC000  }
0x95: {  	_ =	swait.ge @!p0 [sflag:s23], $0x4000  }
0x96: {  	s24 =	simm.s32 @!p0 $0x2680;
	[sflag:s23] =	ssyncset.done @!p0 $0x0  }
0x97: {  	s25 =	simm.s32 @!p0 $0x2800;
	[sflag:s23] =	ssyncadd.s32 @!p0 $0xFFFFC000;
	s23 =	simm.s32 @!p0 $0x80  }
0x98: {  	[spmem:s3] =	stream.indirect.scatter.add.f32 @!p0 [tilespmem:s25], [sflag:$0x3], $0x80, s24, s23, $0xb8;
	[tilespmem:$0x1E400] =	vst v63  }
0x99: {  	s23 =	simm.s32 @!p0 $0x3  }
0x9a: {  	_ =	swait.ge @!p0 [sflag:s23], $0x4000  }
0x9b: {  	s22 =	sadd.s32 $0x1, s22;
	[sflag:s23] =	ssyncset.done @!p0 $0x0  }
0x9c: {  	p1 =	sne.s32 s22, s11;
	[sflag:s23] =	ssyncadd.s32 @!p0 $0xFFFFC000  }
.Ltmp2:
0x9d: {  	[bflag:$0x0] =	sbarrier.arrive $0xFFFF;
	(pc) =	sbr.rel @p1 .LBB2_1-.Ltmp2, $4  }
0x9e: {  	[hbm:s10], [sflag:s6] =	dma.local [spmem:s12], $0x2780  }
0x9f: {  	_ =	swait.ge [sflag:s13], $0x2780  }
0xa0: {  	[sflag:s13] =	ssyncset.done $0x0  }
0xa1: {  	[sflag:s13] =	ssyncadd.s32 $0xFFFFD880  }
0xa2: {  	_ =	sfence.sel $0x180000  }
0xa3: {  	[bflag:$0x0] =	sbarrier.arrive $0xFFFF  }
0xa4: {  	p0 =	sne.s32 s0, $0x0;
	_ =	strace $0x90000047  }
0xa5: {  	s0 =	sadd.s32 @!p0 $0x100000, s2;
	[bflag:$0x2] =	sbarrier.arrive $0xFFFF  }
0xa6: {  	[sflag:s0] =	ssyncadd.tile.s32 @!p0 $0x1;
	_ =	shalt  }
.Lfunc_end2:
_tile_overlayer_lowered:
.L_overlay_start_2:
0xa7: {  	(tag) =	ssettag $0x2  }
0xa8: {  	s0 =	rddreg [dreg:$0x0];
	s2 =	stileid.u32  }
0xa9: {  	s1 =	rddreg [dreg:$0x1];
	p0 =	sne.s32 s2, $0x0  }
0xaa: {  	s3 =	rddreg [dreg:$0x2];
	[bflag:$0x3] =	sbarrier.arrive $0xFFFF;
	s2 =	simm.s32 @!p0 $0x1C03  }
0xab: {  	[timem:s3], [sflag:s2] =	dma.local @!p0 [hbm:s0], s1  }
0xac: {  	s0 =	simm.s32 @!p0 $0x3  }
0xad: {  	_ =	swait.ge @!p0 [sflag:s0], s1  }
0xae: {  	s1 =	ssub.s32 @!p0 $0x0, s1;
	[sflag:s0] =	ssyncset.done @!p0 $0x0  }
0xaf: {  	[sflag:s0] =	ssyncadd.s32 @!p0 s1  }
0xb0: {  	[bflag:$0x3] =	sbarrier.arrive $0xFFFF  }
0xb1: {  	_ =	shalt  }

</sc_bundles>
